<compile_context>
chip_gen: v7x
topology: tpu7x:2x2x1
jax: 0.10.2.dev20260603
libtpu: 0.0.44.dev20260713+nightly
codegen_flags: <defaults>
</compile_context>

<pallas_src>
import jax
import jax.numpy as jnp
from jax import lax
from jax.experimental import pallas as pl
from jax.experimental.pallas import tpu as pltpu
from jax.experimental.pallas import tpu_sc as plsc

_B, _L, _C = 4, 512, 768
_T = _B * _L
_N = 5000
_NBLK = 640
_NGRID = (_N + _NBLK - 1) // _NBLK

_BIG_I = 2**30

_SPLIT = 2504
_SPLIT_BLK = _SPLIT // _NBLK


def _argmin_body(z_ref, cb_ref, out_ref, zsq_sc, b0_sc, i0_sc, b1_sc, i1_sc):
    n = pl.program_id(0)

    @pl.when(n == 0)
    def _():
        zb = z_ref[...]
        zsq_sc[...] = jnp.sum(zb * zb, axis=1, keepdims=True)

    zb = z_ref[...]
    cbb = cb_ref[...]
    cross = lax.dot_general(
        zb.astype(jnp.bfloat16), cbb.astype(jnp.bfloat16),
        (((1,), (1,)), ((), ())),
        preferred_element_type=jnp.float32)
    csq = jnp.sum(cbb * cbb, axis=1)
    dist = zsq_sc[...] - 2.0 * cross + csq[None, :]
    colf = jnp.float32(n * _NBLK) + lax.broadcasted_iota(
        jnp.int32, (_T, _NBLK), 1).astype(jnp.float32)

    def local_argmin(d):
        lm = jnp.min(d, axis=1, keepdims=True)
        cand = jnp.where(d == lm, colf, jnp.float32(_BIG_I))
        return lm, jnp.min(cand, axis=1, keepdims=True)

    @pl.when(n < _SPLIT_BLK)
    def _():
        lm, li = local_argmin(dist)

        @pl.when(n == 0)
        def _():
            b0_sc[...] = lm
            i0_sc[...] = li

        @pl.when(n > 0)
        def _():
            better = lm < b0_sc[...]
            b0_sc[...] = jnp.where(better, lm, b0_sc[...])
            i0_sc[...] = jnp.where(better, li, i0_sc[...])

    @pl.when(n == _SPLIT_BLK)
    def _():
        lm, li = local_argmin(jnp.where(colf < _SPLIT, dist, jnp.inf))
        better = lm < b0_sc[...]
        b0_sc[...] = jnp.where(better, lm, b0_sc[...])
        i0_sc[...] = jnp.where(better, li, i0_sc[...])

        lm1, li1 = local_argmin(
            jnp.where(colf >= _SPLIT, dist, jnp.inf))
        b1_sc[...] = lm1
        i1_sc[...] = li1

    @pl.when((n > _SPLIT_BLK) & (n < _NGRID - 1))
    def _():
        lm, li = local_argmin(dist)
        better = lm < b1_sc[...]
        b1_sc[...] = jnp.where(better, lm, b1_sc[...])
        i1_sc[...] = jnp.where(better, li, i1_sc[...])

    @pl.when(n == _NGRID - 1)
    def _():
        lm, li = local_argmin(jnp.where(colf < _N, dist, jnp.inf))
        better = lm < b1_sc[...]
        b1 = jnp.where(better, lm, b1_sc[...])
        i1 = jnp.where(better, li, i1_sc[...])
        acc0 = b0_sc[...].astype(jnp.bfloat16).astype(jnp.float32)
        take1 = b1 < acc0
        out_ref[...] = jnp.where(take1, i1, i0_sc[...]).astype(jnp.int32)


def _tc_argmin(z2, codebook):
    return pl.pallas_call(
        _argmin_body,
        grid=(_NGRID,),
        in_specs=[
            pl.BlockSpec((_T, _C), lambda n: (0, 0)),
            pl.BlockSpec((_NBLK, _C), lambda n: (n, 0)),
        ],
        out_specs=pl.BlockSpec((_T, 1), lambda n: (0, 0)),
        out_shape=jax.ShapeDtypeStruct((_T, 1), jnp.int32),
        scratch_shapes=[
            pltpu.VMEM((_T, 1), jnp.float32),
            pltpu.VMEM((_T, 1), jnp.float32),
            pltpu.VMEM((_T, 1), jnp.float32),
            pltpu.VMEM((_T, 1), jnp.float32),
            pltpu.VMEM((_T, 1), jnp.float32),
        ],
    )(z2, codebook)


_NCORE = 2
_NSUB = 16
_NW = _NCORE * _NSUB
_ROWS_PER_W = _T // _NW
_NCHUNK = 4
_RPC = _ROWS_PER_W // _NCHUNK
_CHUNKS = _C // 16


def _gather_body(tab_hbm, idx_hbm, mrep_hbm, out_hbm, idx_v, m_v, rows_v, gsems, ssems):
    wid = lax.axis_index("s") * _NCORE + lax.axis_index("c")
    base = wid * _ROWS_PER_W
    pltpu.sync_copy(idx_hbm.at[pl.ds(base, _ROWS_PER_W)], idx_v)
    pltpu.sync_copy(mrep_hbm.at[pl.ds(base, _ROWS_PER_W)], m_v)

    gathers = [
        pltpu.async_copy(
            tab_hbm.at[idx_v.at[pl.ds(c * _RPC, _RPC)]],
            rows_v.at[pl.ds(c * _RPC, _RPC)], gsems[c])
        for c in range(_NCHUNK)
    ]
    stores = []
    for c in range(_NCHUNK):
        gathers[c].wait()

        def row_body(r, carry):
            m = m_v[r, :]

            def col_body(j, cc):
                sl = pl.ds(j * 16, 16)
                rows_v[r, sl] = rows_v[r, sl] * m
                return cc

            lax.fori_loop(0, _CHUNKS, col_body, 0)
            return carry

        lax.fori_loop(c * _RPC, (c + 1) * _RPC, row_body, 0)
        stores.append(pltpu.async_copy(
            rows_v.at[pl.ds(c * _RPC, _RPC)],
            out_hbm.at[pl.ds(base + c * _RPC, _RPC)], ssems[c]))
    for s in stores:
        s.wait()


def _sc_gather(table, gidx, mrep):
    return pl.kernel(
        _gather_body,
        out_type=jax.ShapeDtypeStruct((_T, _C), jnp.float32),
        mesh=plsc.VectorSubcoreMesh(core_axis_name="c", subcore_axis_name="s"),
        scratch_types=[
            pltpu.VMEM((_ROWS_PER_W,), jnp.int32),
            pltpu.VMEM((_ROWS_PER_W, 16), jnp.float32),
            pltpu.VMEM((_ROWS_PER_W, _C), jnp.float32),
            [pltpu.SemaphoreType.DMA] * _NCHUNK,
            [pltpu.SemaphoreType.DMA] * _NCHUNK,
        ],
    )(table, gidx, mrep)


def kernel(z, mask, codebook):
    z2 = z.reshape(_T, _C)
    idx2d = _tc_argmin(z2, codebook)
    mrep = jnp.broadcast_to(
        mask.reshape(_T, 1).astype(jnp.float32), (_T, 16))
    q2 = _sc_gather(codebook, idx2d.reshape(_T), mrep)
    quantized = q2.reshape(_B, _L, _C)
    indices = idx2d.reshape(_B, _L)
    return quantized, indices, 0.0

# --- scband reference (transcript-rebuilt; emitter-appended) ---
"""Pipeline reference for scband-kmeans-audio-quantizer-11922829214092 (READ-ONLY COPY).

The authoritative reference and input builder live on the scoring server;
editing this copy changes nothing except your own understanding.
"""

import jax, jax.numpy as jnp
import numpy as np


def setup_inputs(seed: int = 0) -> dict:
    key = jax.random.key(seed)
    k1, k2, k3 = jax.random.split(key, 3)
    z = jax.random.normal(k1, (4, 512, 768), dtype=jnp.float32)
    mask = jax.random.randint(k2, (4, 512), 0, 2).astype(jnp.bool_)
    # Simulated kmeans codebook buffer (original loads 5000-cluster kmeans on 768-d audio feats)
    codebook = jax.random.normal(k3, (5000, 768), dtype=jnp.float32)
    return {"z": z, "mask": mask, "codebook": codebook}


def reference(z, mask, codebook):
    # codebook = self.codebook.detach()
    cb = jax.lax.stop_gradient(codebook)
    # pairwise squared euclidean distance:
    # original materializes (A - B)**2 of shape [B, L, N, C]; we use the
    # algebraically identical expansion ||z||^2 - 2 z.c + ||c||^2 to keep
    # memory tractable. Math is identical.
    z_sq = jnp.sum(z * z, axis=-1, keepdims=True)            # [B, L, 1]
    c_sq = jnp.sum(cb * cb, axis=-1)                          # [N]
    cross = jnp.einsum('blc,nc->bln', z, cb)                  # [B, L, N]
    distance = z_sq - 2.0 * cross + c_sq[None, None, :]       # [B, L, N]
    indices = jnp.argmin(distance, axis=-1)                   # [B, L]
    B, L = indices.shape
    N, C = cb.shape
    flat_indices = indices.reshape(-1)
    codes = jnp.take(cb, flat_indices, axis=0)                # index_select
    quantized = codes.reshape(B, L, C)
    # quantized[~mask] = 0.0
    quantized = jnp.where(mask[..., None], quantized, 0.0)
    commit_loss = 0.0
    return quantized, indices, commit_loss

if __name__ == "__main__":
    import jax
    _d = setup_inputs()
    print(jax.jit(kernel)(*tuple(_d.values())))

</pallas_src>

<mosaic_0001>
#map = affine_map<(d0, d1) -> (0, 0)>
#map1 = affine_map<(d0, d1) -> (0)>
module attributes {stable_mosaic.version = 14 : i64} {
  func.func @_gather_body(%arg0: i32, %arg1: i32, %arg2: memref<5000x768xf32, #tpu.memory_space<hbm>>, %arg3: memref<2048xi32, #tpu.memory_space<hbm>>, %arg4: memref<2048x16xf32, #tpu.memory_space<hbm>>, %arg5: memref<2048x768xf32, #tpu.memory_space<hbm>>, %arg6: memref<64xi32, #tpu.memory_space<vmem>>, %arg7: memref<64x16xf32, #tpu.memory_space<vmem>>, %arg8: memref<64x768xf32, #tpu.memory_space<vmem>>, %arg9: memref<!tpu.dma_semaphore, #tpu.memory_space<semaphore_mem>>, %arg10: memref<!tpu.dma_semaphore, #tpu.memory_space<semaphore_mem>>, %arg11: memref<!tpu.dma_semaphore, #tpu.memory_space<semaphore_mem>>, %arg12: memref<!tpu.dma_semaphore, #tpu.memory_space<semaphore_mem>>, %arg13: memref<!tpu.dma_semaphore, #tpu.memory_space<semaphore_mem>>, %arg14: memref<!tpu.dma_semaphore, #tpu.memory_space<semaphore_mem>>, %arg15: memref<!tpu.dma_semaphore, #tpu.memory_space<semaphore_mem>>, %arg16: memref<!tpu.dma_semaphore, #tpu.memory_space<semaphore_mem>>) attributes {dimension_semantics = [#tpu.dimension_semantics<core_parallel>, #tpu.dimension_semantics<subcore_parallel>], iteration_bounds = array<i64: 2, 16>, scalar_prefetch = 0 : i64, scratch_operands = 11 : i64, tpu.core_type = #tpu.core_type<sc_vector_subcore>, window_params = [{transform_indices = #map}, {transform_indices = #map1}, {transform_indices = #map}, {transform_indices = #map}]} {
    %mul3A = arith.constant 2 : i32
    %mul3A_0 = arith.muli %arg1, %mul3A : i32
    %add3A = arith.addi %mul3A_0, %arg0 : i32
    %mul3A_1 = arith.constant 64 : i32
    %mul3A_2 = arith.muli %add3A, %mul3A_1 : i32
    "tpu.region"() ({
      %run_scoped3A = tpu.sem_alloc : memref<!tpu.dma_semaphore, #tpu.memory_space<semaphore_mem>>
      %dma_start3A_176 = tpu.memref_slice %arg3[%mul3A_2] : memref<2048xi32, #tpu.memory_space<hbm>> -> memref<64xi32, #tpu.memory_space<hbm>>
      %dma_start3A_177 = tpu.memref_slice %arg3[%mul3A_2] : memref<2048xi32, #tpu.memory_space<hbm>> -> memref<64xi32, #tpu.memory_space<hbm>>
      tpu.enqueue_dma source(%dma_start3A_177 : memref<64xi32, #tpu.memory_space<hbm>>) target(%arg6 : memref<64xi32, #tpu.memory_space<vmem>>) target_semaphore(%run_scoped3A : memref<!tpu.dma_semaphore, #tpu.memory_space<semaphore_mem>>)
      %dma_wait3A_178 = tpu.memref_slice %arg3[%mul3A_2] : memref<2048xi32, #tpu.memory_space<hbm>> -> memref<64xi32, #tpu.memory_space<hbm>>
      %dma_wait3A_179 = tpu.memref_slice %arg3[%mul3A_2] : memref<2048xi32, #tpu.memory_space<hbm>> -> memref<64xi32, #tpu.memory_space<hbm>>
      tpu.wait_dma2 semaphore(%run_scoped3A : memref<!tpu.dma_semaphore, #tpu.memory_space<semaphore_mem>>) src(%dma_wait3A_179 : memref<64xi32, #tpu.memory_space<hbm>>) dst(%arg6 : memref<64xi32, #tpu.memory_space<vmem>>)
      tpu.yield
    }) : () -> ()
    "tpu.region"() ({
      %run_scoped3A = tpu.sem_alloc : memref<!tpu.dma_semaphore, #tpu.memory_space<semaphore_mem>>
      %dma_start3A_176 = arith.constant 0 : i32
      %dma_start3A_177 = tpu.memref_slice %arg4[%mul3A_2, %dma_start3A_176] : memref<2048x16xf32, #tpu.memory_space<hbm>> -> memref<64x16xf32, #tpu.memory_space<hbm>>
      %dma_start3A_178 = arith.constant 0 : i32
      %dma_start3A_179 = tpu.memref_slice %arg4[%mul3A_2, %dma_start3A_178] : memref<2048x16xf32, #tpu.memory_space<hbm>> -> memref<64x16xf32, #tpu.memory_space<hbm>>
      tpu.enqueue_dma source(%dma_start3A_179 : memref<64x16xf32, #tpu.memory_space<hbm>>) target(%arg7 : memref<64x16xf32, #tpu.memory_space<vmem>>) target_semaphore(%run_scoped3A : memref<!tpu.dma_semaphore, #tpu.memory_space<semaphore_mem>>)
      %dma_wait3A_180 = arith.constant 0 : i32
      %dma_wait3A_181 = tpu.memref_slice %arg4[%mul3A_2, %dma_wait3A_180] : memref<2048x16xf32, #tpu.memory_space<hbm>> -> memref<64x16xf32, #tpu.memory_space<hbm>>
      %dma_wait3A_182 = arith.constant 0 : i32
      %dma_wait3A_183 = tpu.memref_slice %arg4[%mul3A_2, %dma_wait3A_182] : memref<2048x16xf32, #tpu.memory_space<hbm>> -> memref<64x16xf32, #tpu.memory_space<hbm>>
      tpu.wait_dma2 semaphore(%run_scoped3A : memref<!tpu.dma_semaphore, #tpu.memory_space<semaphore_mem>>) src(%dma_wait3A_183 : memref<64x16xf32, #tpu.memory_space<hbm>>) dst(%arg7 : memref<64x16xf32, #tpu.memory_space<vmem>>)
      tpu.yield
    }) : () -> ()
    %dma_start3A = arith.constant 0 : i32
    %dma_start3A_3 = arith.constant 0 : i32
    %dma_start3A_4 = tpu.memref_slice %arg8[%dma_start3A, %dma_start3A_3] : memref<64x768xf32, #tpu.memory_space<vmem>> -> memref<16x768xf32, #tpu.memory_space<vmem>>
    %dma_start3A_5 = arith.constant 0 : i32
    %dma_start3A_6 = tpu.memref_slice %arg6[%dma_start3A_5] : memref<64xi32, #tpu.memory_space<vmem>> -> memref<16xi32, #tpu.memory_space<vmem>>
    %dma_start3A_7 = arith.constant 0 : i32
    %dma_start3A_8 = arith.constant 0 : i32
    %dma_start3A_9 = tpu.memref_slice %arg2[%dma_start3A_7, %dma_start3A_8] : memref<5000x768xf32, #tpu.memory_space<hbm>> -> memref<5000x768xf32, #tpu.memory_space<hbm>>
    tpu.enqueue_indirect_dma source(%dma_start3A_9 : memref<5000x768xf32, #tpu.memory_space<hbm>>) target(%dma_start3A_4 : memref<16x768xf32, #tpu.memory_space<vmem>>) offsets(%dma_start3A_6 : memref<16xi32, #tpu.memory_space<vmem>>) semaphore(%arg9 : memref<!tpu.dma_semaphore, #tpu.memory_space<semaphore_mem>>)
    %dma_start3A_10 = arith.constant 16 : i32
    %dma_start3A_11 = arith.constant 0 : i32
    %dma_start3A_12 = tpu.memref_slice %arg8[%dma_start3A_10, %dma_start3A_11] : memref<64x768xf32, #tpu.memory_space<vmem>> -> memref<16x768xf32, #tpu.memory_space<vmem>>
    %dma_start3A_13 = arith.constant 16 : i32
    %dma_start3A_14 = tpu.memref_slice %arg6[%dma_start3A_13] : memref<64xi32, #tpu.memory_space<vmem>> -> memref<16xi32, #tpu.memory_space<vmem>>
    %dma_start3A_15 = arith.constant 0 : i32
    %dma_start3A_16 = arith.constant 0 : i32
    %dma_start3A_17 = tpu.memref_slice %arg2[%dma_start3A_15, %dma_start3A_16] : memref<5000x768xf32, #tpu.memory_space<hbm>> -> memref<5000x768xf32, #tpu.memory_space<hbm>>
    tpu.enqueue_indirect_dma source(%dma_start3A_17 : memref<5000x768xf32, #tpu.memory_space<hbm>>) target(%dma_start3A_12 : memref<16x768xf32, #tpu.memory_space<vmem>>) offsets(%dma_start3A_14 : memref<16xi32, #tpu.memory_space<vmem>>) semaphore(%arg10 : memref<!tpu.dma_semaphore, #tpu.memory_space<semaphore_mem>>)
    %dma_start3A_18 = arith.constant 32 : i32
    %dma_start3A_19 = arith.constant 0 : i32
    %dma_start3A_20 = tpu.memref_slice %arg8[%dma_start3A_18, %dma_start3A_19] : memref<64x768xf32, #tpu.memory_space<vmem>> -> memref<16x768xf32, #tpu.memory_space<vmem>>
    %dma_start3A_21 = arith.constant 32 : i32
    %dma_start3A_22 = tpu.memref_slice %arg6[%dma_start3A_21] : memref<64xi32, #tpu.memory_space<vmem>> -> memref<16xi32, #tpu.memory_space<vmem>>
    %dma_start3A_23 = arith.constant 0 : i32
    %dma_start3A_24 = arith.constant 0 : i32
    %dma_start3A_25 = tpu.memref_slice %arg2[%dma_start3A_23, %dma_start3A_24] : memref<5000x768xf32, #tpu.memory_space<hbm>> -> memref<5000x768xf32, #tpu.memory_space<hbm>>
    tpu.enqueue_indirect_dma source(%dma_start3A_25 : memref<5000x768xf32, #tpu.memory_space<hbm>>) target(%dma_start3A_20 : memref<16x768xf32, #tpu.memory_space<vmem>>) offsets(%dma_start3A_22 : memref<16xi32, #tpu.memory_space<vmem>>) semaphore(%arg11 : memref<!tpu.dma_semaphore, #tpu.memory_space<semaphore_mem>>)
    %dma_start3A_26 = arith.constant 48 : i32
    %dma_start3A_27 = arith.constant 0 : i32
    %dma_start3A_28 = tpu.memref_slice %arg8[%dma_start3A_26, %dma_start3A_27] : memref<64x768xf32, #tpu.memory_space<vmem>> -> memref<16x768xf32, #tpu.memory_space<vmem>>
    %dma_start3A_29 = arith.constant 48 : i32
    %dma_start3A_30 = tpu.memref_slice %arg6[%dma_start3A_29] : memref<64xi32, #tpu.memory_space<vmem>> -> memref<16xi32, #tpu.memory_space<vmem>>
    %dma_start3A_31 = arith.constant 0 : i32
    %dma_start3A_32 = arith.constant 0 : i32
    %dma_start3A_33 = tpu.memref_slice %arg2[%dma_start3A_31, %dma_start3A_32] : memref<5000x768xf32, #tpu.memory_space<hbm>> -> memref<5000x768xf32, #tpu.memory_space<hbm>>
    tpu.enqueue_indirect_dma source(%dma_start3A_33 : memref<5000x768xf32, #tpu.memory_space<hbm>>) target(%dma_start3A_28 : memref<16x768xf32, #tpu.memory_space<vmem>>) offsets(%dma_start3A_30 : memref<16xi32, #tpu.memory_space<vmem>>) semaphore(%arg12 : memref<!tpu.dma_semaphore, #tpu.memory_space<semaphore_mem>>)
    %dma_wait3A = arith.constant 0 : i32
    %dma_wait3A_34 = arith.constant 0 : i32
    %dma_wait3A_35 = tpu.memref_slice %arg8[%dma_wait3A, %dma_wait3A_34] : memref<64x768xf32, #tpu.memory_space<vmem>> -> memref<16x768xf32, #tpu.memory_space<vmem>>
    %dma_wait3A_36 = arith.constant 0 : i32
    %dma_wait3A_37 = tpu.memref_slice %arg6[%dma_wait3A_36] : memref<64xi32, #tpu.memory_space<vmem>> -> memref<16xi32, #tpu.memory_space<vmem>>
    %dma_wait3A_38 = arith.constant 0 : i32
    %dma_wait3A_39 = arith.constant 0 : i32
    %dma_wait3A_40 = tpu.memref_slice %arg2[%dma_wait3A_38, %dma_wait3A_39] : memref<5000x768xf32, #tpu.memory_space<hbm>> -> memref<5000x768xf32, #tpu.memory_space<hbm>>
    tpu.wait_indirect_dma semaphore(%arg9 : memref<!tpu.dma_semaphore, #tpu.memory_space<semaphore_mem>>) src(%dma_wait3A_40 : memref<5000x768xf32, #tpu.memory_space<hbm>>) dst(%dma_wait3A_35 : memref<16x768xf32, #tpu.memory_space<vmem>>)
    %scan3A = arith.constant 0 : i32
    %scan3A_41 = arith.constant 0 : i32
    %scan3A_42 = arith.constant 16 : i32
    %scan3A_43 = arith.addi %scan3A_41, %scan3A_42 : i32
    %scan3A_44 = arith.constant 1 : i32
    scf.for %scan3A_176 = %scan3A_41 to %scan3A_43 step %scan3A_44  : i32 {
      %get3A = arith.index_cast %scan3A_176 : i32 to index
      %get3A_177 = arith.constant 0 : index
      %get3A_178 = tpu.vector_load %arg7[%get3A, %get3A_177] {strides = array<i32>} : memref<64x16xf32, #tpu.memory_space<vmem>>, vector<1x16xf32>,
      %get3A_179 = vector.shape_cast %get3A_178 : vector<1x16xf32> to vector<16xf32>
      %scan3A_180 = arith.constant 0 : i32
      %scan3A_181 = arith.constant 0 : i32
      %scan3A_182 = arith.constant 48 : i32
      %scan3A_183 = arith.addi %scan3A_181, %scan3A_182 : i32
      %scan3A_184 = arith.constant 1 : i32
      scf.for %scan3A_186 = %scan3A_181 to %scan3A_183 step %scan3A_184  : i32 {
        %mul3A_187 = arith.constant 16 : i32
        %mul3A_188 = arith.muli %scan3A_186, %mul3A_187 : i32
        %get3A_189 = arith.index_cast %scan3A_176 : i32 to index
        %get3A_190 = arith.index_cast %mul3A_188 : i32 to index
        %get3A_191 = tpu.vector_load %arg8[%get3A_189, %get3A_190] {strides = array<i32>} : memref<64x768xf32, #tpu.memory_space<vmem>>, vector<1x16xf32>,
        %get3A_192 = vector.shape_cast %get3A_191 : vector<1x16xf32> to vector<16xf32>
        %mul3A_193 = arith.mulf %get3A_192, %get3A_179 : vector<16xf32>
        %swap3A = arith.index_cast %scan3A_176 : i32 to index
        %swap3A_194 = arith.index_cast %mul3A_188 : i32 to index
        %swap3A_195 = tpu.vector_load %arg8[%swap3A, %swap3A_194] {strides = array<i32>} : memref<64x768xf32, #tpu.memory_space<vmem>>, vector<1x16xf32>,
        %swap3A_196 = vector.shape_cast %swap3A_195 : vector<1x16xf32> to vector<16xf32>
        %swap3A_197 = vector.shape_cast %mul3A_193 : vector<16xf32> to vector<1x16xf32>
        tpu.vector_store %arg8[%swap3A, %swap3A_194], %swap3A_197 {strides = array<i32>} : memref<64x768xf32, #tpu.memory_space<vmem>>, vector<1x16xf32>,
      }
      %scan3A_185 = arith.constant 48 : i32
    }
    %scan3A_45 = arith.constant 16 : i32
    %add3A_46 = arith.constant 0 : i32
    %add3A_47 = arith.addi %mul3A_2, %add3A_46 : i32
    %dma_start3A_48 = arith.constant 0 : i32
    %dma_start3A_49 = arith.constant 0 : i32
    %dma_start3A_50 = tpu.memref_slice %arg8[%dma_start3A_48, %dma_start3A_49] : memref<64x768xf32, #tpu.memory_space<vmem>> -> memref<16x768xf32, #tpu.memory_space<vmem>>
    %dma_start3A_51 = arith.constant 0 : i32
    %dma_start3A_52 = tpu.memref_slice %arg5[%add3A_47, %dma_start3A_51] : memref<2048x768xf32, #tpu.memory_space<hbm>> -> memref<16x768xf32, #tpu.memory_space<hbm>>
    %dma_start3A_53 = arith.constant 0 : i32
    %dma_start3A_54 = tpu.memref_slice %arg5[%add3A_47, %dma_start3A_53] : memref<2048x768xf32, #tpu.memory_space<hbm>> -> memref<16x768xf32, #tpu.memory_space<hbm>>
    %dma_start3A_55 = arith.constant 0 : i32
    %dma_start3A_56 = arith.constant 0 : i32
    %dma_start3A_57 = tpu.memref_slice %arg8[%dma_start3A_55, %dma_start3A_56] : memref<64x768xf32, #tpu.memory_space<vmem>> -> memref<16x768xf32, #tpu.memory_space<vmem>>
    tpu.enqueue_dma source(%dma_start3A_57 : memref<16x768xf32, #tpu.memory_space<vmem>>) target(%dma_start3A_54 : memref<16x768xf32, #tpu.memory_space<hbm>>) target_semaphore(%arg13 : memref<!tpu.dma_semaphore, #tpu.memory_space<semaphore_mem>>)
    %dma_wait3A_58 = arith.constant 16 : i32
    %dma_wait3A_59 = arith.constant 0 : i32
    %dma_wait3A_60 = tpu.memref_slice %arg8[%dma_wait3A_58, %dma_wait3A_59] : memref<64x768xf32, #tpu.memory_space<vmem>> -> memref<16x768xf32, #tpu.memory_space<vmem>>
    %dma_wait3A_61 = arith.constant 16 : i32
    %dma_wait3A_62 = tpu.memref_slice %arg6[%dma_wait3A_61] : memref<64xi32, #tpu.memory_space<vmem>> -> memref<16xi32, #tpu.memory_space<vmem>>
    %dma_wait3A_63 = arith.constant 0 : i32
    %dma_wait3A_64 = arith.constant 0 : i32
    %dma_wait3A_65 = tpu.memref_slice %arg2[%dma_wait3A_63, %dma_wait3A_64] : memref<5000x768xf32, #tpu.memory_space<hbm>> -> memref<5000x768xf32, #tpu.memory_space<hbm>>
    tpu.wait_indirect_dma semaphore(%arg10 : memref<!tpu.dma_semaphore, #tpu.memory_space<semaphore_mem>>) src(%dma_wait3A_65 : memref<5000x768xf32, #tpu.memory_space<hbm>>) dst(%dma_wait3A_60 : memref<16x768xf32, #tpu.memory_space<vmem>>)
    %scan3A_66 = arith.constant 0 : i32
    %scan3A_67 = arith.constant 16 : i32
    %scan3A_68 = arith.constant 16 : i32
    %scan3A_69 = arith.addi %scan3A_67, %scan3A_68 : i32
    %scan3A_70 = arith.constant 1 : i32
    scf.for %scan3A_176 = %scan3A_67 to %scan3A_69 step %scan3A_70  : i32 {
      %get3A = arith.index_cast %scan3A_176 : i32 to index
      %get3A_177 = arith.constant 0 : index
      %get3A_178 = tpu.vector_load %arg7[%get3A, %get3A_177] {strides = array<i32>} : memref<64x16xf32, #tpu.memory_space<vmem>>, vector<1x16xf32>,
      %get3A_179 = vector.shape_cast %get3A_178 : vector<1x16xf32> to vector<16xf32>
      %scan3A_180 = arith.constant 0 : i32
      %scan3A_181 = arith.constant 0 : i32
      %scan3A_182 = arith.constant 48 : i32
      %scan3A_183 = arith.addi %scan3A_181, %scan3A_182 : i32
      %scan3A_184 = arith.constant 1 : i32
      scf.for %scan3A_186 = %scan3A_181 to %scan3A_183 step %scan3A_184  : i32 {
        %mul3A_187 = arith.constant 16 : i32
        %mul3A_188 = arith.muli %scan3A_186, %mul3A_187 : i32
        %get3A_189 = arith.index_cast %scan3A_176 : i32 to index
        %get3A_190 = arith.index_cast %mul3A_188 : i32 to index
        %get3A_191 = tpu.vector_load %arg8[%get3A_189, %get3A_190] {strides = array<i32>} : memref<64x768xf32, #tpu.memory_space<vmem>>, vector<1x16xf32>,
        %get3A_192 = vector.shape_cast %get3A_191 : vector<1x16xf32> to vector<16xf32>
        %mul3A_193 = arith.mulf %get3A_192, %get3A_179 : vector<16xf32>
        %swap3A = arith.index_cast %scan3A_176 : i32 to index
        %swap3A_194 = arith.index_cast %mul3A_188 : i32 to index
        %swap3A_195 = tpu.vector_load %arg8[%swap3A, %swap3A_194] {strides = array<i32>} : memref<64x768xf32, #tpu.memory_space<vmem>>, vector<1x16xf32>,
        %swap3A_196 = vector.shape_cast %swap3A_195 : vector<1x16xf32> to vector<16xf32>
        %swap3A_197 = vector.shape_cast %mul3A_193 : vector<16xf32> to vector<1x16xf32>
        tpu.vector_store %arg8[%swap3A, %swap3A_194], %swap3A_197 {strides = array<i32>} : memref<64x768xf32, #tpu.memory_space<vmem>>, vector<1x16xf32>,
      }
      %scan3A_185 = arith.constant 48 : i32
    }
    %scan3A_71 = arith.constant 16 : i32
    %add3A_72 = arith.constant 16 : i32
    %add3A_73 = arith.addi %mul3A_2, %add3A_72 : i32
    %dma_start3A_74 = arith.constant 16 : i32
    %dma_start3A_75 = arith.constant 0 : i32
    %dma_start3A_76 = tpu.memref_slice %arg8[%dma_start3A_74, %dma_start3A_75] : memref<64x768xf32, #tpu.memory_space<vmem>> -> memref<16x768xf32, #tpu.memory_space<vmem>>
    %dma_start3A_77 = arith.constant 0 : i32
    %dma_start3A_78 = tpu.memref_slice %arg5[%add3A_73, %dma_start3A_77] : memref<2048x768xf32, #tpu.memory_space<hbm>> -> memref<16x768xf32, #tpu.memory_space<hbm>>
    %dma_start3A_79 = arith.constant 0 : i32
    %dma_start3A_80 = tpu.memref_slice %arg5[%add3A_73, %dma_start3A_79] : memref<2048x768xf32, #tpu.memory_space<hbm>> -> memref<16x768xf32, #tpu.memory_space<hbm>>
    %dma_start3A_81 = arith.constant 16 : i32
    %dma_start3A_82 = arith.constant 0 : i32
    %dma_start3A_83 = tpu.memref_slice %arg8[%dma_start3A_81, %dma_start3A_82] : memref<64x768xf32, #tpu.memory_space<vmem>> -> memref<16x768xf32, #tpu.memory_space<vmem>>
    tpu.enqueue_dma source(%dma_start3A_83 : memref<16x768xf32, #tpu.memory_space<vmem>>) target(%dma_start3A_80 : memref<16x768xf32, #tpu.memory_space<hbm>>) target_semaphore(%arg14 : memref<!tpu.dma_semaphore, #tpu.memory_space<semaphore_mem>>)
    %dma_wait3A_84 = arith.constant 32 : i32
    %dma_wait3A_85 = arith.constant 0 : i32
    %dma_wait3A_86 = tpu.memref_slice %arg8[%dma_wait3A_84, %dma_wait3A_85] : memref<64x768xf32, #tpu.memory_space<vmem>> -> memref<16x768xf32, #tpu.memory_space<vmem>>
    %dma_wait3A_87 = arith.constant 32 : i32
    %dma_wait3A_88 = tpu.memref_slice %arg6[%dma_wait3A_87] : memref<64xi32, #tpu.memory_space<vmem>> -> memref<16xi32, #tpu.memory_space<vmem>>
    %dma_wait3A_89 = arith.constant 0 : i32
    %dma_wait3A_90 = arith.constant 0 : i32
    %dma_wait3A_91 = tpu.memref_slice %arg2[%dma_wait3A_89, %dma_wait3A_90] : memref<5000x768xf32, #tpu.memory_space<hbm>> -> memref<5000x768xf32, #tpu.memory_space<hbm>>
    tpu.wait_indirect_dma semaphore(%arg11 : memref<!tpu.dma_semaphore, #tpu.memory_space<semaphore_mem>>) src(%dma_wait3A_91 : memref<5000x768xf32, #tpu.memory_space<hbm>>) dst(%dma_wait3A_86 : memref<16x768xf32, #tpu.memory_space<vmem>>)
    %scan3A_92 = arith.constant 0 : i32
    %scan3A_93 = arith.constant 32 : i32
    %scan3A_94 = arith.constant 16 : i32
    %scan3A_95 = arith.addi %scan3A_93, %scan3A_94 : i32
    %scan3A_96 = arith.constant 1 : i32
    scf.for %scan3A_176 = %scan3A_93 to %scan3A_95 step %scan3A_96  : i32 {
      %get3A = arith.index_cast %scan3A_176 : i32 to index
      %get3A_177 = arith.constant 0 : index
      %get3A_178 = tpu.vector_load %arg7[%get3A, %get3A_177] {strides = array<i32>} : memref<64x16xf32, #tpu.memory_space<vmem>>, vector<1x16xf32>,
      %get3A_179 = vector.shape_cast %get3A_178 : vector<1x16xf32> to vector<16xf32>
      %scan3A_180 = arith.constant 0 : i32
      %scan3A_181 = arith.constant 0 : i32
      %scan3A_182 = arith.constant 48 : i32
      %scan3A_183 = arith.addi %scan3A_181, %scan3A_182 : i32
      %scan3A_184 = arith.constant 1 : i32
      scf.for %scan3A_186 = %scan3A_181 to %scan3A_183 step %scan3A_184  : i32 {
        %mul3A_187 = arith.constant 16 : i32
        %mul3A_188 = arith.muli %scan3A_186, %mul3A_187 : i32
        %get3A_189 = arith.index_cast %scan3A_176 : i32 to index
        %get3A_190 = arith.index_cast %mul3A_188 : i32 to index
        %get3A_191 = tpu.vector_load %arg8[%get3A_189, %get3A_190] {strides = array<i32>} : memref<64x768xf32, #tpu.memory_space<vmem>>, vector<1x16xf32>,
        %get3A_192 = vector.shape_cast %get3A_191 : vector<1x16xf32> to vector<16xf32>
        %mul3A_193 = arith.mulf %get3A_192, %get3A_179 : vector<16xf32>
        %swap3A = arith.index_cast %scan3A_176 : i32 to index
        %swap3A_194 = arith.index_cast %mul3A_188 : i32 to index
        %swap3A_195 = tpu.vector_load %arg8[%swap3A, %swap3A_194] {strides = array<i32>} : memref<64x768xf32, #tpu.memory_space<vmem>>, vector<1x16xf32>,
        %swap3A_196 = vector.shape_cast %swap3A_195 : vector<1x16xf32> to vector<16xf32>
        %swap3A_197 = vector.shape_cast %mul3A_193 : vector<16xf32> to vector<1x16xf32>
        tpu.vector_store %arg8[%swap3A, %swap3A_194], %swap3A_197 {strides = array<i32>} : memref<64x768xf32, #tpu.memory_space<vmem>>, vector<1x16xf32>,
      }
      %scan3A_185 = arith.constant 48 : i32
    }
    %scan3A_97 = arith.constant 16 : i32
    %add3A_98 = arith.constant 32 : i32
    %add3A_99 = arith.addi %mul3A_2, %add3A_98 : i32
    %dma_start3A_100 = arith.constant 32 : i32
    %dma_start3A_101 = arith.constant 0 : i32
    %dma_start3A_102 = tpu.memref_slice %arg8[%dma_start3A_100, %dma_start3A_101] : memref<64x768xf32, #tpu.memory_space<vmem>> -> memref<16x768xf32, #tpu.memory_space<vmem>>
    %dma_start3A_103 = arith.constant 0 : i32
    %dma_start3A_104 = tpu.memref_slice %arg5[%add3A_99, %dma_start3A_103] : memref<2048x768xf32, #tpu.memory_space<hbm>> -> memref<16x768xf32, #tpu.memory_space<hbm>>
    %dma_start3A_105 = arith.constant 0 : i32
    %dma_start3A_106 = tpu.memref_slice %arg5[%add3A_99, %dma_start3A_105] : memref<2048x768xf32, #tpu.memory_space<hbm>> -> memref<16x768xf32, #tpu.memory_space<hbm>>
    %dma_start3A_107 = arith.constant 32 : i32
    %dma_start3A_108 = arith.constant 0 : i32
    %dma_start3A_109 = tpu.memref_slice %arg8[%dma_start3A_107, %dma_start3A_108] : memref<64x768xf32, #tpu.memory_space<vmem>> -> memref<16x768xf32, #tpu.memory_space<vmem>>
    tpu.enqueue_dma source(%dma_start3A_109 : memref<16x768xf32, #tpu.memory_space<vmem>>) target(%dma_start3A_106 : memref<16x768xf32, #tpu.memory_space<hbm>>) target_semaphore(%arg15 : memref<!tpu.dma_semaphore, #tpu.memory_space<semaphore_mem>>)
    %dma_wait3A_110 = arith.constant 48 : i32
    %dma_wait3A_111 = arith.constant 0 : i32
    %dma_wait3A_112 = tpu.memref_slice %arg8[%dma_wait3A_110, %dma_wait3A_111] : memref<64x768xf32, #tpu.memory_space<vmem>> -> memref<16x768xf32, #tpu.memory_space<vmem>>
    %dma_wait3A_113 = arith.constant 48 : i32
    %dma_wait3A_114 = tpu.memref_slice %arg6[%dma_wait3A_113] : memref<64xi32, #tpu.memory_space<vmem>> -> memref<16xi32, #tpu.memory_space<vmem>>
    %dma_wait3A_115 = arith.constant 0 : i32
    %dma_wait3A_116 = arith.constant 0 : i32
    %dma_wait3A_117 = tpu.memref_slice %arg2[%dma_wait3A_115, %dma_wait3A_116] : memref<5000x768xf32, #tpu.memory_space<hbm>> -> memref<5000x768xf32, #tpu.memory_space<hbm>>
    tpu.wait_indirect_dma semaphore(%arg12 : memref<!tpu.dma_semaphore, #tpu.memory_space<semaphore_mem>>) src(%dma_wait3A_117 : memref<5000x768xf32, #tpu.memory_space<hbm>>) dst(%dma_wait3A_112 : memref<16x768xf32, #tpu.memory_space<vmem>>)
    %scan3A_118 = arith.constant 0 : i32
    %scan3A_119 = arith.constant 48 : i32
    %scan3A_120 = arith.constant 16 : i32
    %scan3A_121 = arith.addi %scan3A_119, %scan3A_120 : i32
    %scan3A_122 = arith.constant 1 : i32
    scf.for %scan3A_176 = %scan3A_119 to %scan3A_121 step %scan3A_122  : i32 {
      %get3A = arith.index_cast %scan3A_176 : i32 to index
      %get3A_177 = arith.constant 0 : index
      %get3A_178 = tpu.vector_load %arg7[%get3A, %get3A_177] {strides = array<i32>} : memref<64x16xf32, #tpu.memory_space<vmem>>, vector<1x16xf32>,
      %get3A_179 = vector.shape_cast %get3A_178 : vector<1x16xf32> to vector<16xf32>
      %scan3A_180 = arith.constant 0 : i32
      %scan3A_181 = arith.constant 0 : i32
      %scan3A_182 = arith.constant 48 : i32
      %scan3A_183 = arith.addi %scan3A_181, %scan3A_182 : i32
      %scan3A_184 = arith.constant 1 : i32
      scf.for %scan3A_186 = %scan3A_181 to %scan3A_183 step %scan3A_184  : i32 {
        %mul3A_187 = arith.constant 16 : i32
        %mul3A_188 = arith.muli %scan3A_186, %mul3A_187 : i32
        %get3A_189 = arith.index_cast %scan3A_176 : i32 to index
        %get3A_190 = arith.index_cast %mul3A_188 : i32 to index
        %get3A_191 = tpu.vector_load %arg8[%get3A_189, %get3A_190] {strides = array<i32>} : memref<64x768xf32, #tpu.memory_space<vmem>>, vector<1x16xf32>,
        %get3A_192 = vector.shape_cast %get3A_191 : vector<1x16xf32> to vector<16xf32>
        %mul3A_193 = arith.mulf %get3A_192, %get3A_179 : vector<16xf32>
        %swap3A = arith.index_cast %scan3A_176 : i32 to index
        %swap3A_194 = arith.index_cast %mul3A_188 : i32 to index
        %swap3A_195 = tpu.vector_load %arg8[%swap3A, %swap3A_194] {strides = array<i32>} : memref<64x768xf32, #tpu.memory_space<vmem>>, vector<1x16xf32>,
        %swap3A_196 = vector.shape_cast %swap3A_195 : vector<1x16xf32> to vector<16xf32>
        %swap3A_197 = vector.shape_cast %mul3A_193 : vector<16xf32> to vector<1x16xf32>
        tpu.vector_store %arg8[%swap3A, %swap3A_194], %swap3A_197 {strides = array<i32>} : memref<64x768xf32, #tpu.memory_space<vmem>>, vector<1x16xf32>,
      }
      %scan3A_185 = arith.constant 48 : i32
    }
    %scan3A_123 = arith.constant 16 : i32
    %add3A_124 = arith.constant 48 : i32
    %add3A_125 = arith.addi %mul3A_2, %add3A_124 : i32
    %dma_start3A_126 = arith.constant 48 : i32
    %dma_start3A_127 = arith.constant 0 : i32
    %dma_start3A_128 = tpu.memref_slice %arg8[%dma_start3A_126, %dma_start3A_127] : memref<64x768xf32, #tpu.memory_space<vmem>> -> memref<16x768xf32, #tpu.memory_space<vmem>>
    %dma_start3A_129 = arith.constant 0 : i32
    %dma_start3A_130 = tpu.memref_slice %arg5[%add3A_125, %dma_start3A_129] : memref<2048x768xf32, #tpu.memory_space<hbm>> -> memref<16x768xf32, #tpu.memory_space<hbm>>
    %dma_start3A_131 = arith.constant 0 : i32
    %dma_start3A_132 = tpu.memref_slice %arg5[%add3A_125, %dma_start3A_131] : memref<2048x768xf32, #tpu.memory_space<hbm>> -> memref<16x768xf32, #tpu.memory_space<hbm>>
    %dma_start3A_133 = arith.constant 48 : i32
    %dma_start3A_134 = arith.constant 0 : i32
    %dma_start3A_135 = tpu.memref_slice %arg8[%dma_start3A_133, %dma_start3A_134] : memref<64x768xf32, #tpu.memory_space<vmem>> -> memref<16x768xf32, #tpu.memory_space<vmem>>
    tpu.enqueue_dma source(%dma_start3A_135 : memref<16x768xf32, #tpu.memory_space<vmem>>) target(%dma_start3A_132 : memref<16x768xf32, #tpu.memory_space<hbm>>) target_semaphore(%arg16 : memref<!tpu.dma_semaphore, #tpu.memory_space<semaphore_mem>>)
    %dma_wait3A_136 = arith.constant 0 : i32
    %dma_wait3A_137 = arith.constant 0 : i32
    %dma_wait3A_138 = tpu.memref_slice %arg8[%dma_wait3A_136, %dma_wait3A_137] : memref<64x768xf32, #tpu.memory_space<vmem>> -> memref<16x768xf32, #tpu.memory_space<vmem>>
    %dma_wait3A_139 = arith.constant 0 : i32
    %dma_wait3A_140 = tpu.memref_slice %arg5[%add3A_47, %dma_wait3A_139] : memref<2048x768xf32, #tpu.memory_space<hbm>> -> memref<16x768xf32, #tpu.memory_space<hbm>>
    %dma_wait3A_141 = arith.constant 0 : i32
    %dma_wait3A_142 = tpu.memref_slice %arg5[%add3A_47, %dma_wait3A_141] : memref<2048x768xf32, #tpu.memory_space<hbm>> -> memref<16x768xf32, #tpu.memory_space<hbm>>
    %dma_wait3A_143 = arith.constant 0 : i32
    %dma_wait3A_144 = arith.constant 0 : i32
    %dma_wait3A_145 = tpu.memref_slice %arg8[%dma_wait3A_143, %dma_wait3A_144] : memref<64x768xf32, #tpu.memory_space<vmem>> -> memref<16x768xf32, #tpu.memory_space<vmem>>
    tpu.wait_dma2 semaphore(%arg13 : memref<!tpu.dma_semaphore, #tpu.memory_space<semaphore_mem>>) src(%dma_wait3A_145 : memref<16x768xf32, #tpu.memory_space<vmem>>) dst(%dma_wait3A_142 : memref<16x768xf32, #tpu.memory_space<hbm>>)
    %dma_wait3A_146 = arith.constant 16 : i32
    %dma_wait3A_147 = arith.constant 0 : i32
    %dma_wait3A_148 = tpu.memref_slice %arg8[%dma_wait3A_146, %dma_wait3A_147] : memref<64x768xf32, #tpu.memory_space<vmem>> -> memref<16x768xf32, #tpu.memory_space<vmem>>
    %dma_wait3A_149 = arith.constant 0 : i32
    %dma_wait3A_150 = tpu.memref_slice %arg5[%add3A_73, %dma_wait3A_149] : memref<2048x768xf32, #tpu.memory_space<hbm>> -> memref<16x768xf32, #tpu.memory_space<hbm>>
    %dma_wait3A_151 = arith.constant 0 : i32
    %dma_wait3A_152 = tpu.memref_slice %arg5[%add3A_73, %dma_wait3A_151] : memref<2048x768xf32, #tpu.memory_space<hbm>> -> memref<16x768xf32, #tpu.memory_space<hbm>>
    %dma_wait3A_153 = arith.constant 16 : i32
    %dma_wait3A_154 = arith.constant 0 : i32
    %dma_wait3A_155 = tpu.memref_slice %arg8[%dma_wait3A_153, %dma_wait3A_154] : memref<64x768xf32, #tpu.memory_space<vmem>> -> memref<16x768xf32, #tpu.memory_space<vmem>>
    tpu.wait_dma2 semaphore(%arg14 : memref<!tpu.dma_semaphore, #tpu.memory_space<semaphore_mem>>) src(%dma_wait3A_155 : memref<16x768xf32, #tpu.memory_space<vmem>>) dst(%dma_wait3A_152 : memref<16x768xf32, #tpu.memory_space<hbm>>)
    %dma_wait3A_156 = arith.constant 32 : i32
    %dma_wait3A_157 = arith.constant 0 : i32
    %dma_wait3A_158 = tpu.memref_slice %arg8[%dma_wait3A_156, %dma_wait3A_157] : memref<64x768xf32, #tpu.memory_space<vmem>> -> memref<16x768xf32, #tpu.memory_space<vmem>>
    %dma_wait3A_159 = arith.constant 0 : i32
    %dma_wait3A_160 = tpu.memref_slice %arg5[%add3A_99, %dma_wait3A_159] : memref<2048x768xf32, #tpu.memory_space<hbm>> -> memref<16x768xf32, #tpu.memory_space<hbm>>
    %dma_wait3A_161 = arith.constant 0 : i32
    %dma_wait3A_162 = tpu.memref_slice %arg5[%add3A_99, %dma_wait3A_161] : memref<2048x768xf32, #tpu.memory_space<hbm>> -> memref<16x768xf32, #tpu.memory_space<hbm>>
    %dma_wait3A_163 = arith.constant 32 : i32
    %dma_wait3A_164 = arith.constant 0 : i32
    %dma_wait3A_165 = tpu.memref_slice %arg8[%dma_wait3A_163, %dma_wait3A_164] : memref<64x768xf32, #tpu.memory_space<vmem>> -> memref<16x768xf32, #tpu.memory_space<vmem>>
    tpu.wait_dma2 semaphore(%arg15 : memref<!tpu.dma_semaphore, #tpu.memory_space<semaphore_mem>>) src(%dma_wait3A_165 : memref<16x768xf32, #tpu.memory_space<vmem>>) dst(%dma_wait3A_162 : memref<16x768xf32, #tpu.memory_space<hbm>>)
    %dma_wait3A_166 = arith.constant 48 : i32
    %dma_wait3A_167 = arith.constant 0 : i32
    %dma_wait3A_168 = tpu.memref_slice %arg8[%dma_wait3A_166, %dma_wait3A_167] : memref<64x768xf32, #tpu.memory_space<vmem>> -> memref<16x768xf32, #tpu.memory_space<vmem>>
    %dma_wait3A_169 = arith.constant 0 : i32
    %dma_wait3A_170 = tpu.memref_slice %arg5[%add3A_125, %dma_wait3A_169] : memref<2048x768xf32, #tpu.memory_space<hbm>> -> memref<16x768xf32, #tpu.memory_space<hbm>>
    %dma_wait3A_171 = arith.constant 0 : i32
    %dma_wait3A_172 = tpu.memref_slice %arg5[%add3A_125, %dma_wait3A_171] : memref<2048x768xf32, #tpu.memory_space<hbm>> -> memref<16x768xf32, #tpu.memory_space<hbm>>
    %dma_wait3A_173 = arith.constant 48 : i32
    %dma_wait3A_174 = arith.constant 0 : i32
    %dma_wait3A_175 = tpu.memref_slice %arg8[%dma_wait3A_173, %dma_wait3A_174] : memref<64x768xf32, #tpu.memory_space<vmem>> -> memref<16x768xf32, #tpu.memory_space<vmem>>
    tpu.wait_dma2 semaphore(%arg16 : memref<!tpu.dma_semaphore, #tpu.memory_space<semaphore_mem>>) src(%dma_wait3A_175 : memref<16x768xf32, #tpu.memory_space<vmem>>) dst(%dma_wait3A_172 : memref<16x768xf32, #tpu.memory_space<hbm>>)
    return
  }
}

module attributes {stable_mosaic.version = 14 : i64} {
  func.func @_argmin_body(%arg0: i32, %arg1: memref<2048x768xf32, #tpu.memory_space<vmem>>, %arg2: memref<640x768xf32, #tpu.memory_space<vmem>>, %arg3: memref<2048x1xi32, #tpu.memory_space<vmem>>, %arg4: memref<2048x1xf32, #tpu.memory_space<vmem>>, %arg5: memref<2048x1xf32, #tpu.memory_space<vmem>>, %arg6: memref<2048x1xf32, #tpu.memory_space<vmem>>, %arg7: memref<2048x1xf32, #tpu.memory_space<vmem>>, %arg8: memref<2048x1xf32, #tpu.memory_space<vmem>>) attributes {dimension_semantics = [#tpu.dimension_semantics<arbitrary>], iteration_bounds = array<i64: 8>, scalar_prefetch = 0 : i64, scratch_operands = 5 : i64, tpu.core_type = #tpu.core_type<tc>, window_params = [{pipeline_mode = #tpu.pipeline_mode<synchronous>, transform_indices = @transform_0, window_bounds = array<i64: 2048, 768>}, {transform_indices = @transform_1, window_bounds = array<i64: 640, 768>}, {pipeline_mode = #tpu.pipeline_mode<synchronous>, transform_indices = @transform_2, window_bounds = array<i64: 2048, 1>}]} {
    %eq3A = arith.constant 0 : i32
    %eq3A_0 = arith.cmpi eq, %arg0, %eq3A : i32
    %convert_element_type3A = arith.extui %eq3A_0 : i1 to i32
    %cond3A = arith.constant 0 : i32
    %cond3A_1 = arith.cmpi ne, %convert_element_type3A, %cond3A : i32
    scf.if %cond3A_1 {
      %get3A_45 = arith.constant 0 : index
      %get3A_46 = arith.constant 0 : index
      %get3A_47 = vector.load %arg1[%get3A_45, %get3A_46] : memref<2048x768xf32, #tpu.memory_space<vmem>>, vector<2048x768xf32>
      %mul3A_48 = arith.mulf %get3A_47, %get3A_47 : vector<2048x768xf32>
      %reduce_sum3A_49 = arith.constant dense<0.000000e+00> : vector<2048xf32>
      %reduce_sum3A_50 = vector.multi_reduction <add>, %mul3A_48, %reduce_sum3A_49 [1] : vector<2048x768xf32> to vector<2048xf32>
      %broadcast_in_dim3A_51 = vector.shape_cast %reduce_sum3A_50 : vector<2048xf32> to vector<2048x1xf32>
      %swap3A = arith.constant 0 : index
      %swap3A_52 = arith.constant 0 : index
      %swap3A_53 = vector.load %arg4[%swap3A, %swap3A_52] : memref<2048x1xf32, #tpu.memory_space<vmem>>, vector<2048x1xf32>
      tpu.vector_store %arg4[%swap3A, %swap3A_52], %broadcast_in_dim3A_51 {strides = array<i32>} : memref<2048x1xf32, #tpu.memory_space<vmem>>, vector<2048x1xf32>,
    } else {
    }
    %get3A = arith.constant 0 : index
    %get3A_2 = arith.constant 0 : index
    %get3A_3 = vector.load %arg1[%get3A, %get3A_2] : memref<2048x768xf32, #tpu.memory_space<vmem>>, vector<2048x768xf32>
    %get3A_4 = arith.constant 0 : index
    %get3A_5 = arith.constant 0 : index
    %get3A_6 = vector.load %arg2[%get3A_4, %get3A_5] : memref<640x768xf32, #tpu.memory_space<vmem>>, vector<640x768xf32>
    %convert_element_type3A_7 = arith.truncf %get3A_3 : vector<2048x768xf32> to vector<2048x768xbf16>
    %convert_element_type3A_8 = arith.truncf %get3A_6 : vector<640x768xf32> to vector<640x768xbf16>
    %dot_general3A = arith.constant dense<0.000000e+00> : vector<2048x640xf32>
    %dot_general3A_9 = tpu.matmul %convert_element_type3A_7, %convert_element_type3A_8, %dot_general3A {dimension_numbers = #tpu.dot_dimension_numbers<[1], [1], [0], [0], [0, 0, 1, 0], [], []>, transpose_lhs_hint = false} : vector<2048x768xbf16>, vector<640x768xbf16>, vector<2048x640xf32> -> vector<2048x640xf32>
    %mul3A = arith.mulf %get3A_6, %get3A_6 : vector<640x768xf32>
    %reduce_sum3A = arith.constant dense<0.000000e+00> : vector<640xf32>
    %reduce_sum3A_10 = vector.multi_reduction <add>, %mul3A, %reduce_sum3A [1] : vector<640x768xf32> to vector<640xf32>
    %get3A_11 = arith.constant 0 : index
    %get3A_12 = arith.constant 0 : index
    %get3A_13 = vector.load %arg4[%get3A_11, %get3A_12] : memref<2048x1xf32, #tpu.memory_space<vmem>>, vector<2048x1xf32>
    %mul3A_14 = arith.constant 2.000000e+00 : f32
    %mul3A_15 = vector.broadcast %mul3A_14 : f32 to vector<2048x640xf32>
    %mul3A_16 = arith.mulf %mul3A_15, %dot_general3A_9 : vector<2048x640xf32>
    %sub3A = vector.broadcast %get3A_13 : vector<2048x1xf32> to vector<2048x640xf32>
    %sub3A_17 = arith.subf %sub3A, %mul3A_16 : vector<2048x640xf32>
    %broadcast_in_dim3A = vector.shape_cast %reduce_sum3A_10 : vector<640xf32> to vector<1x640xf32>
    %add3A = vector.broadcast %broadcast_in_dim3A : vector<1x640xf32> to vector<2048x640xf32>
    %add3A_18 = arith.addf %sub3A_17, %add3A : vector<2048x640xf32>
    %mul3A_19 = arith.constant 640 : i32
    %mul3A_20 = arith.muli %arg0, %mul3A_19 : i32
    %convert_element_type3A_21 = arith.sitofp %mul3A_20 : i32 to f32
    %iota3A = tpu.iota {dimensions = array<i32: 1>} : vector<2048x640xi32>
    %convert_element_type3A_22 = arith.sitofp %iota3A : vector<2048x640xi32> to vector<2048x640xf32>
    %add3A_23 = vector.broadcast %convert_element_type3A_21 : f32 to vector<2048x640xf32>
    %add3A_24 = arith.addf %add3A_23, %convert_element_type3A_22 : vector<2048x640xf32>
    %lt3A = arith.constant 3 : i32
    %lt3A_25 = arith.cmpi slt, %arg0, %lt3A : i32
    %convert_element_type3A_26 = arith.extui %lt3A_25 : i1 to i32
    %cond3A_27 = arith.constant 0 : i32
    %cond3A_28 = arith.cmpi ne, %convert_element_type3A_26, %cond3A_27 : i32
    scf.if %cond3A_28 {
      %reduce_min3A = arith.constant dense<0x7F800000> : vector<2048xf32>
      %reduce_min3A_45 = vector.multi_reduction <minimumf>, %add3A_18, %reduce_min3A [1] : vector<2048x640xf32> to vector<2048xf32>
      %broadcast_in_dim3A_46 = vector.shape_cast %reduce_min3A_45 : vector<2048xf32> to vector<2048x1xf32>
      %eq3A_47 = vector.broadcast %broadcast_in_dim3A_46 : vector<2048x1xf32> to vector<2048x640xf32>
      %eq3A_48 = arith.cmpf oeq, %add3A_18, %eq3A_47 : vector<2048x640xf32>
      %jit3A = arith.constant 1.07374182E+9 : f32
      %broadcast_in_dim3A_49 = vector.broadcast %jit3A : f32 to vector<2048x640xf32>
      %select_n3A = arith.select %eq3A_48, %add3A_24, %broadcast_in_dim3A_49 : vector<2048x640xi1>, vector<2048x640xf32>
      %reduce_min3A_50 = arith.constant dense<0x7F800000> : vector<2048xf32>
      %reduce_min3A_51 = vector.multi_reduction <minimumf>, %select_n3A, %reduce_min3A_50 [1] : vector<2048x640xf32> to vector<2048xf32>
      %broadcast_in_dim3A_52 = vector.shape_cast %reduce_min3A_51 : vector<2048xf32> to vector<2048x1xf32>
      %eq3A_53 = arith.constant 0 : i32
      %eq3A_54 = arith.cmpi eq, %arg0, %eq3A_53 : i32
      %convert_element_type3A_55 = arith.extui %eq3A_54 : i1 to i32
      %cond3A_56 = arith.constant 0 : i32
      %cond3A_57 = arith.cmpi ne, %convert_element_type3A_55, %cond3A_56 : i32
      scf.if %cond3A_57 {
        %swap3A = arith.constant 0 : index
        %swap3A_63 = arith.constant 0 : index
        %swap3A_64 = vector.load %arg5[%swap3A, %swap3A_63] : memref<2048x1xf32, #tpu.memory_space<vmem>>, vector<2048x1xf32>
        tpu.vector_store %arg5[%swap3A, %swap3A_63], %broadcast_in_dim3A_46 {strides = array<i32>} : memref<2048x1xf32, #tpu.memory_space<vmem>>, vector<2048x1xf32>,
        %swap3A_65 = arith.constant 0 : index
        %swap3A_66 = arith.constant 0 : index
        %swap3A_67 = vector.load %arg6[%swap3A_65, %swap3A_66] : memref<2048x1xf32, #tpu.memory_space<vmem>>, vector<2048x1xf32>
        tpu.vector_store %arg6[%swap3A_65, %swap3A_66], %broadcast_in_dim3A_52 {strides = array<i32>} : memref<2048x1xf32, #tpu.memory_space<vmem>>, vector<2048x1xf32>,
      } else {
      }
      %gt3A_58 = arith.constant 0 : i32
      %gt3A_59 = arith.cmpi sgt, %arg0, %gt3A_58 : i32
      %convert_element_type3A_60 = arith.extui %gt3A_59 : i1 to i32
      %cond3A_61 = arith.constant 0 : i32
      %cond3A_62 = arith.cmpi ne, %convert_element_type3A_60, %cond3A_61 : i32
      scf.if %cond3A_62 {
        %get3A_63 = arith.constant 0 : index
        %get3A_64 = arith.constant 0 : index
        %get3A_65 = vector.load %arg5[%get3A_63, %get3A_64] : memref<2048x1xf32, #tpu.memory_space<vmem>>, vector<2048x1xf32>
        %lt3A_66 = arith.cmpf olt, %broadcast_in_dim3A_46, %get3A_65 : vector<2048x1xf32>
        %get3A_67 = arith.constant 0 : index
        %get3A_68 = arith.constant 0 : index
        %get3A_69 = vector.load %arg5[%get3A_67, %get3A_68] : memref<2048x1xf32, #tpu.memory_space<vmem>>, vector<2048x1xf32>
        %select_n3A_70 = arith.select %lt3A_66, %broadcast_in_dim3A_46, %get3A_69 : vector<2048x1xi1>, vector<2048x1xf32>
        %swap3A = arith.constant 0 : index
        %swap3A_71 = arith.constant 0 : index
        %swap3A_72 = vector.load %arg5[%swap3A, %swap3A_71] : memref<2048x1xf32, #tpu.memory_space<vmem>>, vector<2048x1xf32>
        tpu.vector_store %arg5[%swap3A, %swap3A_71], %select_n3A_70 {strides = array<i32>} : memref<2048x1xf32, #tpu.memory_space<vmem>>, vector<2048x1xf32>,
        %get3A_73 = arith.constant 0 : index
        %get3A_74 = arith.constant 0 : index
        %get3A_75 = vector.load %arg6[%get3A_73, %get3A_74] : memref<2048x1xf32, #tpu.memory_space<vmem>>, vector<2048x1xf32>
        %select_n3A_76 = arith.select %lt3A_66, %broadcast_in_dim3A_52, %get3A_75 : vector<2048x1xi1>, vector<2048x1xf32>
        %swap3A_77 = arith.constant 0 : index
        %swap3A_78 = arith.constant 0 : index
        %swap3A_79 = vector.load %arg6[%swap3A_77, %swap3A_78] : memref<2048x1xf32, #tpu.memory_space<vmem>>, vector<2048x1xf32>
        tpu.vector_store %arg6[%swap3A_77, %swap3A_78], %select_n3A_76 {strides = array<i32>} : memref<2048x1xf32, #tpu.memory_space<vmem>>, vector<2048x1xf32>,
      } else {
      }
    } else {
    }
    %eq3A_29 = arith.constant 3 : i32
    %eq3A_30 = arith.cmpi eq, %arg0, %eq3A_29 : i32
    %convert_element_type3A_31 = arith.extui %eq3A_30 : i1 to i32
    %cond3A_32 = arith.constant 0 : i32
    %cond3A_33 = arith.cmpi ne, %convert_element_type3A_31, %cond3A_32 : i32
    scf.if %cond3A_33 {
      %lt3A_45 = arith.constant 2.504000e+03 : f32
      %lt3A_46 = vector.broadcast %lt3A_45 : f32 to vector<2048x640xf32>
      %lt3A_47 = arith.cmpf olt, %add3A_24, %lt3A_46 : vector<2048x640xf32>
      %jit3A = arith.constant 0x7F800000 : f32
      %broadcast_in_dim3A_48 = vector.broadcast %jit3A : f32 to vector<2048x640xf32>
      %select_n3A = arith.select %lt3A_47, %add3A_18, %broadcast_in_dim3A_48 : vector<2048x640xi1>, vector<2048x640xf32>
      %reduce_min3A = arith.constant dense<0x7F800000> : vector<2048xf32>
      %reduce_min3A_49 = vector.multi_reduction <minimumf>, %select_n3A, %reduce_min3A [1] : vector<2048x640xf32> to vector<2048xf32>
      %broadcast_in_dim3A_50 = vector.shape_cast %reduce_min3A_49 : vector<2048xf32> to vector<2048x1xf32>
      %eq3A_51 = vector.broadcast %broadcast_in_dim3A_50 : vector<2048x1xf32> to vector<2048x640xf32>
      %eq3A_52 = arith.cmpf oeq, %select_n3A, %eq3A_51 : vector<2048x640xf32>
      %jit3A_53 = arith.constant 1.07374182E+9 : f32
      %broadcast_in_dim3A_54 = vector.broadcast %jit3A_53 : f32 to vector<2048x640xf32>
      %select_n3A_55 = arith.select %eq3A_52, %add3A_24, %broadcast_in_dim3A_54 : vector<2048x640xi1>, vector<2048x640xf32>
      %reduce_min3A_56 = arith.constant dense<0x7F800000> : vector<2048xf32>
      %reduce_min3A_57 = vector.multi_reduction <minimumf>, %select_n3A_55, %reduce_min3A_56 [1] : vector<2048x640xf32> to vector<2048xf32>
      %broadcast_in_dim3A_58 = vector.shape_cast %reduce_min3A_57 : vector<2048xf32> to vector<2048x1xf32>
      %get3A_59 = arith.constant 0 : index
      %get3A_60 = arith.constant 0 : index
      %get3A_61 = vector.load %arg5[%get3A_59, %get3A_60] : memref<2048x1xf32, #tpu.memory_space<vmem>>, vector<2048x1xf32>
      %lt3A_62 = arith.cmpf olt, %broadcast_in_dim3A_50, %get3A_61 : vector<2048x1xf32>
      %get3A_63 = arith.constant 0 : index
      %get3A_64 = arith.constant 0 : index
      %get3A_65 = vector.load %arg5[%get3A_63, %get3A_64] : memref<2048x1xf32, #tpu.memory_space<vmem>>, vector<2048x1xf32>
      %select_n3A_66 = arith.select %lt3A_62, %broadcast_in_dim3A_50, %get3A_65 : vector<2048x1xi1>, vector<2048x1xf32>
      %swap3A = arith.constant 0 : index
      %swap3A_67 = arith.constant 0 : index
      %swap3A_68 = vector.load %arg5[%swap3A, %swap3A_67] : memref<2048x1xf32, #tpu.memory_space<vmem>>, vector<2048x1xf32>
      tpu.vector_store %arg5[%swap3A, %swap3A_67], %select_n3A_66 {strides = array<i32>} : memref<2048x1xf32, #tpu.memory_space<vmem>>, vector<2048x1xf32>,
      %get3A_69 = arith.constant 0 : index
      %get3A_70 = arith.constant 0 : index
      %get3A_71 = vector.load %arg6[%get3A_69, %get3A_70] : memref<2048x1xf32, #tpu.memory_space<vmem>>, vector<2048x1xf32>
      %select_n3A_72 = arith.select %lt3A_62, %broadcast_in_dim3A_58, %get3A_71 : vector<2048x1xi1>, vector<2048x1xf32>
      %swap3A_73 = arith.constant 0 : index
      %swap3A_74 = arith.constant 0 : index
      %swap3A_75 = vector.load %arg6[%swap3A_73, %swap3A_74] : memref<2048x1xf32, #tpu.memory_space<vmem>>, vector<2048x1xf32>
      tpu.vector_store %arg6[%swap3A_73, %swap3A_74], %select_n3A_72 {strides = array<i32>} : memref<2048x1xf32, #tpu.memory_space<vmem>>, vector<2048x1xf32>,
      %ge3A = arith.constant 2.504000e+03 : f32
      %ge3A_76 = vector.broadcast %ge3A : f32 to vector<2048x640xf32>
      %ge3A_77 = arith.cmpf oge, %add3A_24, %ge3A_76 : vector<2048x640xf32>
      %jit3A_78 = arith.constant 0x7F800000 : f32
      %broadcast_in_dim3A_79 = vector.broadcast %jit3A_78 : f32 to vector<2048x640xf32>
      %select_n3A_80 = arith.select %ge3A_77, %add3A_18, %broadcast_in_dim3A_79 : vector<2048x640xi1>, vector<2048x640xf32>
      %reduce_min3A_81 = arith.constant dense<0x7F800000> : vector<2048xf32>
      %reduce_min3A_82 = vector.multi_reduction <minimumf>, %select_n3A_80, %reduce_min3A_81 [1] : vector<2048x640xf32> to vector<2048xf32>
      %broadcast_in_dim3A_83 = vector.shape_cast %reduce_min3A_82 : vector<2048xf32> to vector<2048x1xf32>
      %eq3A_84 = vector.broadcast %broadcast_in_dim3A_83 : vector<2048x1xf32> to vector<2048x640xf32>
      %eq3A_85 = arith.cmpf oeq, %select_n3A_80, %eq3A_84 : vector<2048x640xf32>
      %jit3A_86 = arith.constant 1.07374182E+9 : f32
      %broadcast_in_dim3A_87 = vector.broadcast %jit3A_86 : f32 to vector<2048x640xf32>
      %select_n3A_88 = arith.select %eq3A_85, %add3A_24, %broadcast_in_dim3A_87 : vector<2048x640xi1>, vector<2048x640xf32>
      %reduce_min3A_89 = arith.constant dense<0x7F800000> : vector<2048xf32>
      %reduce_min3A_90 = vector.multi_reduction <minimumf>, %select_n3A_88, %reduce_min3A_89 [1] : vector<2048x640xf32> to vector<2048xf32>
      %broadcast_in_dim3A_91 = vector.shape_cast %reduce_min3A_90 : vector<2048xf32> to vector<2048x1xf32>
      %swap3A_92 = arith.constant 0 : index
      %swap3A_93 = arith.constant 0 : index
      %swap3A_94 = vector.load %arg7[%swap3A_92, %swap3A_93] : memref<2048x1xf32, #tpu.memory_space<vmem>>, vector<2048x1xf32>
      tpu.vector_store %arg7[%swap3A_92, %swap3A_93], %broadcast_in_dim3A_83 {strides = array<i32>} : memref<2048x1xf32, #tpu.memory_space<vmem>>, vector<2048x1xf32>,
      %swap3A_95 = arith.constant 0 : index
      %swap3A_96 = arith.constant 0 : index
      %swap3A_97 = vector.load %arg8[%swap3A_95, %swap3A_96] : memref<2048x1xf32, #tpu.memory_space<vmem>>, vector<2048x1xf32>
      tpu.vector_store %arg8[%swap3A_95, %swap3A_96], %broadcast_in_dim3A_91 {strides = array<i32>} : memref<2048x1xf32, #tpu.memory_space<vmem>>, vector<2048x1xf32>,
    } else {
    }
    %gt3A = arith.constant 3 : i32
    %gt3A_34 = arith.cmpi sgt, %arg0, %gt3A : i32
    %lt3A_35 = arith.constant 7 : i32
    %lt3A_36 = arith.cmpi slt, %arg0, %lt3A_35 : i32
    %and3A = arith.andi %gt3A_34, %lt3A_36 : i1
    %convert_element_type3A_37 = arith.extui %and3A : i1 to i32
    %cond3A_38 = arith.constant 0 : i32
    %cond3A_39 = arith.cmpi ne, %convert_element_type3A_37, %cond3A_38 : i32
    scf.if %cond3A_39 {
      %reduce_min3A = arith.constant dense<0x7F800000> : vector<2048xf32>
      %reduce_min3A_45 = vector.multi_reduction <minimumf>, %add3A_18, %reduce_min3A [1] : vector<2048x640xf32> to vector<2048xf32>
      %broadcast_in_dim3A_46 = vector.shape_cast %reduce_min3A_45 : vector<2048xf32> to vector<2048x1xf32>
      %eq3A_47 = vector.broadcast %broadcast_in_dim3A_46 : vector<2048x1xf32> to vector<2048x640xf32>
      %eq3A_48 = arith.cmpf oeq, %add3A_18, %eq3A_47 : vector<2048x640xf32>
      %jit3A = arith.constant 1.07374182E+9 : f32
      %broadcast_in_dim3A_49 = vector.broadcast %jit3A : f32 to vector<2048x640xf32>
      %select_n3A = arith.select %eq3A_48, %add3A_24, %broadcast_in_dim3A_49 : vector<2048x640xi1>, vector<2048x640xf32>
      %reduce_min3A_50 = arith.constant dense<0x7F800000> : vector<2048xf32>
      %reduce_min3A_51 = vector.multi_reduction <minimumf>, %select_n3A, %reduce_min3A_50 [1] : vector<2048x640xf32> to vector<2048xf32>
      %broadcast_in_dim3A_52 = vector.shape_cast %reduce_min3A_51 : vector<2048xf32> to vector<2048x1xf32>
      %get3A_53 = arith.constant 0 : index
      %get3A_54 = arith.constant 0 : index
      %get3A_55 = vector.load %arg7[%get3A_53, %get3A_54] : memref<2048x1xf32, #tpu.memory_space<vmem>>, vector<2048x1xf32>
      %lt3A_56 = arith.cmpf olt, %broadcast_in_dim3A_46, %get3A_55 : vector<2048x1xf32>
      %get3A_57 = arith.constant 0 : index
      %get3A_58 = arith.constant 0 : index
      %get3A_59 = vector.load %arg7[%get3A_57, %get3A_58] : memref<2048x1xf32, #tpu.memory_space<vmem>>, vector<2048x1xf32>
      %select_n3A_60 = arith.select %lt3A_56, %broadcast_in_dim3A_46, %get3A_59 : vector<2048x1xi1>, vector<2048x1xf32>
      %swap3A = arith.constant 0 : index
      %swap3A_61 = arith.constant 0 : index
      %swap3A_62 = vector.load %arg7[%swap3A, %swap3A_61] : memref<2048x1xf32, #tpu.memory_space<vmem>>, vector<2048x1xf32>
      tpu.vector_store %arg7[%swap3A, %swap3A_61], %select_n3A_60 {strides = array<i32>} : memref<2048x1xf32, #tpu.memory_space<vmem>>, vector<2048x1xf32>,
      %get3A_63 = arith.constant 0 : index
      %get3A_64 = arith.constant 0 : index
      %get3A_65 = vector.load %arg8[%get3A_63, %get3A_64] : memref<2048x1xf32, #tpu.memory_space<vmem>>, vector<2048x1xf32>
      %select_n3A_66 = arith.select %lt3A_56, %broadcast_in_dim3A_52, %get3A_65 : vector<2048x1xi1>, vector<2048x1xf32>
      %swap3A_67 = arith.constant 0 : index
      %swap3A_68 = arith.constant 0 : index
      %swap3A_69 = vector.load %arg8[%swap3A_67, %swap3A_68] : memref<2048x1xf32, #tpu.memory_space<vmem>>, vector<2048x1xf32>
      tpu.vector_store %arg8[%swap3A_67, %swap3A_68], %select_n3A_66 {strides = array<i32>} : memref<2048x1xf32, #tpu.memory_space<vmem>>, vector<2048x1xf32>,
    } else {
    }
    %eq3A_40 = arith.constant 7 : i32
    %eq3A_41 = arith.cmpi eq, %arg0, %eq3A_40 : i32
    %convert_element_type3A_42 = arith.extui %eq3A_41 : i1 to i32
    %cond3A_43 = arith.constant 0 : i32
    %cond3A_44 = arith.cmpi ne, %convert_element_type3A_42, %cond3A_43 : i32
    scf.if %cond3A_44 {
      %lt3A_45 = arith.constant 5.000000e+03 : f32
      %lt3A_46 = vector.broadcast %lt3A_45 : f32 to vector<2048x640xf32>
      %lt3A_47 = arith.cmpf olt, %add3A_24, %lt3A_46 : vector<2048x640xf32>
      %jit3A = arith.constant 0x7F800000 : f32
      %broadcast_in_dim3A_48 = vector.broadcast %jit3A : f32 to vector<2048x640xf32>
      %select_n3A = arith.select %lt3A_47, %add3A_18, %broadcast_in_dim3A_48 : vector<2048x640xi1>, vector<2048x640xf32>
      %reduce_min3A = arith.constant dense<0x7F800000> : vector<2048xf32>
      %reduce_min3A_49 = vector.multi_reduction <minimumf>, %select_n3A, %reduce_min3A [1] : vector<2048x640xf32> to vector<2048xf32>
      %broadcast_in_dim3A_50 = vector.shape_cast %reduce_min3A_49 : vector<2048xf32> to vector<2048x1xf32>
      %eq3A_51 = vector.broadcast %broadcast_in_dim3A_50 : vector<2048x1xf32> to vector<2048x640xf32>
      %eq3A_52 = arith.cmpf oeq, %select_n3A, %eq3A_51 : vector<2048x640xf32>
      %jit3A_53 = arith.constant 1.07374182E+9 : f32
      %broadcast_in_dim3A_54 = vector.broadcast %jit3A_53 : f32 to vector<2048x640xf32>
      %select_n3A_55 = arith.select %eq3A_52, %add3A_24, %broadcast_in_dim3A_54 : vector<2048x640xi1>, vector<2048x640xf32>
      %reduce_min3A_56 = arith.constant dense<0x7F800000> : vector<2048xf32>
      %reduce_min3A_57 = vector.multi_reduction <minimumf>, %select_n3A_55, %reduce_min3A_56 [1] : vector<2048x640xf32> to vector<2048xf32>
      %broadcast_in_dim3A_58 = vector.shape_cast %reduce_min3A_57 : vector<2048xf32> to vector<2048x1xf32>
      %get3A_59 = arith.constant 0 : index
      %get3A_60 = arith.constant 0 : index
      %get3A_61 = vector.load %arg7[%get3A_59, %get3A_60] : memref<2048x1xf32, #tpu.memory_space<vmem>>, vector<2048x1xf32>
      %lt3A_62 = arith.cmpf olt, %broadcast_in_dim3A_50, %get3A_61 : vector<2048x1xf32>
      %get3A_63 = arith.constant 0 : index
      %get3A_64 = arith.constant 0 : index
      %get3A_65 = vector.load %arg7[%get3A_63, %get3A_64] : memref<2048x1xf32, #tpu.memory_space<vmem>>, vector<2048x1xf32>
      %select_n3A_66 = arith.select %lt3A_62, %broadcast_in_dim3A_50, %get3A_65 : vector<2048x1xi1>, vector<2048x1xf32>
      %get3A_67 = arith.constant 0 : index
      %get3A_68 = arith.constant 0 : index
      %get3A_69 = vector.load %arg8[%get3A_67, %get3A_68] : memref<2048x1xf32, #tpu.memory_space<vmem>>, vector<2048x1xf32>
      %select_n3A_70 = arith.select %lt3A_62, %broadcast_in_dim3A_58, %get3A_69 : vector<2048x1xi1>, vector<2048x1xf32>
      %get3A_71 = arith.constant 0 : index
      %get3A_72 = arith.constant 0 : index
      %get3A_73 = vector.load %arg5[%get3A_71, %get3A_72] : memref<2048x1xf32, #tpu.memory_space<vmem>>, vector<2048x1xf32>
      %convert_element_type3A_74 = arith.truncf %get3A_73 : vector<2048x1xf32> to vector<2048x1xbf16>
      %convert_element_type3A_75 = arith.extf %convert_element_type3A_74 : vector<2048x1xbf16> to vector<2048x1xf32>
      %lt3A_76 = arith.cmpf olt, %select_n3A_66, %convert_element_type3A_75 : vector<2048x1xf32>
      %get3A_77 = arith.constant 0 : index
      %get3A_78 = arith.constant 0 : index
      %get3A_79 = vector.load %arg6[%get3A_77, %get3A_78] : memref<2048x1xf32, #tpu.memory_space<vmem>>, vector<2048x1xf32>
      %select_n3A_80 = arith.select %lt3A_76, %select_n3A_70, %get3A_79 : vector<2048x1xi1>, vector<2048x1xf32>
      %convert_element_type3A_81 = arith.fptosi %select_n3A_80 : vector<2048x1xf32> to vector<2048x1xi32>
      %swap3A = arith.constant 0 : index
      %swap3A_82 = arith.constant 0 : index
      %swap3A_83 = vector.load %arg3[%swap3A, %swap3A_82] : memref<2048x1xi32, #tpu.memory_space<vmem>>, vector<2048x1xi32>
      tpu.vector_store %arg3[%swap3A, %swap3A_82], %convert_element_type3A_81 {strides = array<i32>} : memref<2048x1xi32, #tpu.memory_space<vmem>>, vector<2048x1xi32>,
    } else {
    }
    return
  }
  func.func @transform_0(%arg0: i32) -> (i32, i32) {
    %c0_i32 = arith.constant 0 : i32
    %c0_i32_0 = arith.constant 0 : i32
    %c0_i32_1 = arith.constant 0 : i32
    return %c0_i32, %c0_i32_0 : i32, i32
  }
  func.func @transform_1(%arg0: i32) -> (i32, i32) {
    %c0_i32 = arith.constant 0 : i32
    %c0_i32_0 = arith.constant 0 : i32
    return %arg0, %c0_i32 : i32, i32
  }
  func.func @transform_2(%arg0: i32) -> (i32, i32) {
    %c0_i32 = arith.constant 0 : i32
    %c0_i32_0 = arith.constant 0 : i32
    %c0_i32_1 = arith.constant 0 : i32
    return %c0_i32, %c0_i32_0 : i32, i32
  }
}

</mosaic_0001>

<sc_bundles>
// kernel: kernel.4.cloned.1.call-start
scs
__scs_entry_jumppad:
0x0: {  	(pc) =	sbr.rel $0x88, $3  }
0x1: {  	(tag) =	ssettag $0x0;
	lr =	simm.s32 $0x1  }
0x2: {  	[smem:$0x3F9E] =	sst lr;
	_ =	strace $0xD0000000  }
0x3: {  	_ = 	snop  }
0x4: {  	_ = 	snop  }
0x5: {  	_ = 	snop  }
0x6: {  	_ = 	snop  }
0x7: {  	_ = 	snop  }
__scs_overlays_trampoline_lowered:
0x8: {  	[smem:$0x3FAD] =	sst s0  }
0x9: {  	[smem:$0x3FAE] =	sst s1  }
0xa: {  	[smem:$0x3FAF] =	sst s2  }
0xb: {  	[smem:$0x3FB0] =	sst s3  }
0xc: {  	[smem:$0x3FB1] =	sst s4  }
0xd: {  	[smem:$0x3FB2] =	sst s5  }
0xe: {  	[smem:$0x3FB3] =	sst s6  }
0xf: {  	[smem:$0x3FB4] =	sst s7  }
0x10: {  	[smem:$0x3FB5] =	sst s8  }
0x11: {  	[smem:$0x3FB6] =	sst s9;
	s0 =	simm.s32 @!p0 $0x0  }
0x12: {  	s1 =	sld [smem:$0x3F9C];
	s0 =	simm.s32 @p0 $0x1  }
0x13: {  	[smem:$0x3FB7] =	sst s0;
	s0 =	simm.s32 @!p1 $0x0  }
0x14: {  	s2 =	sld [smem:$0x3F9B];
	s0 =	simm.s32 @p1 $0x1  }
0x15: {  	[smem:$0x3FB8] =	sst s0;
	s0 =	simm.s32 @!p2 $0x0  }
0x16: {  	s3 =	sld [smem:$0x3FDB];
	s0 =	simm.s32 @p2 $0x1  }
0x17: {  	s4 =	simm.s32 $0x1BF5;
	[smem:$0x3FBA] =	sst s0  }
0x18: {  	s0 =	sld [smem:$0x3F9D];
	_ =	swait.ge [sflag:s4], $0x0  }
0x19: {  	s7 =	sld [smem:$0x3F9E]  }
0x1a: {  	s8 =	sadd.s32 $0xFFFFE003, lr  }
0x1b: {  	s9 =	sadd.s32 $0xFFFFFEF7, lr;
	s5 =	simm.s32 $0xFFFFFFFF;
	p2 =	slt.u32 s8, $0xFFFFF086  }
0x1c: {  	p1 =	slt.u32 s9, $0xF7A;
	s5 =	simm.s32 @!p2 $0x0  }
0x1d: {  	s5 =	simm.s32 @p1 $0x1;
	p0 =	seq.s32 s7, s2  }
0x1e: {  	s7 =	smul.u32 @!p0 $0xF7A, s2;
	p2 =	seq.s32 @!p0 s5, $0x0  }
0x1f: {  	s9 =	smul.u32 $0xF7A, s1;
	s8 =	simm.s32 @!p0 $0x1BF5;
	p2 =	por !p2, p0  }
0x20: {  	[sflag:s8] =	ssyncset.s32 @!p0 $0xFFFFF086;
	s6 =	sadd.s32 @!p0 s3, s7;
	s7 =	simm.s32 @!p0 $0x108  }
0x21: {  	s3 =	sadd.s32 s3, s9;
	s6 =	sadd.s32 @!p0 $0x88, s6;
	s7 =	simm.s32 @p2 $0x1082  }
0x22: {  	[simem:s7], [sflag:s8] =	dma.local @!p0 [hbm:s6], $0xF7A  }
0x23: {  	s9 =	sor.u32 $0xD0000000, s2;
	s6 =	simm.s32 $0x108;
	_ =	swait.ge @!p0 [sflag:s8], $0x0  }
0x24: {  	s3 =	sadd.s32 $0x88, s3;
	s6 =	simm.s32 @!p1 $0x1082;
	[sflag:s4] =	ssyncset.s32 $0xFFFFF086  }
0x25: {  	[simem:s6], [sflag:s4] =	dma.local [hbm:s3], $0xF7A  }
0x26: {  	[smem:$0x3F9E] =	sst s1;
	(tag) =	ssettag s2;
	_ =	strace s9  }
0x27: {  	s1 =	sld [smem:$0x3FAE]  }
0x28: {  	s2 =	sld [smem:$0x3FAF]  }
0x29: {  	s4 =	sld [smem:$0x3FB1]  }
0x2a: {  	p0 =	seq.s32 s5, $0x0;
	s5 =	sld [smem:$0x3FB2]  }
0x2b: {  	s6 =	sld [smem:$0x3FB3]  }
0x2c: {  	s7 =	sld [smem:$0x3FB4]  }
0x2d: {  	s3 =	simm.s32 $0x108;
	s8 =	sld [smem:$0x3FB5]  }
0x2e: {  	s3 =	simm.s32 @!p0 $0x1082;
	s9 =	sld [smem:$0x3FB6]  }
0x2f: {  	lr =	sadd.s32 s0, s3;
	s0 =	sld [smem:$0x3FAD]  }
0x30: {  	s3 =	sld [smem:$0x3FB0]  }
0x31: {  	[smem:$0x3FB9] =	sst s10  }
0x32: {  	s10 =	sld [smem:$0x3FB7];
	_ =	sdelay $0x3  }
0x33: {  	p0 =	seq.s32 s10, $0x1;
	s10 =	sld [smem:$0x3FB9];
	_ =	sdelay $0x3  }
0x34: {  	[smem:$0x3FB9] =	sst s10  }
0x35: {  	s10 =	sld [smem:$0x3FB8];
	_ =	sdelay $0x3  }
0x36: {  	p1 =	seq.s32 s10, $0x1;
	s10 =	sld [smem:$0x3FB9];
	_ =	sdelay $0x3  }
0x37: {  	[smem:$0x3FB9] =	sst s10  }
0x38: {  	s10 =	sld [smem:$0x3FBA]  }
0x39: {  	_ = 	snop;
	(pc) =	sbr.ind lr, $3  }
0x3a: {  	_ = 	snop  }
0x3b: {  	_ = 	snop  }
0x3c: {  	p2 =	seq.s32 s10, $0x1;
	s10 =	sld [smem:$0x3FB9]  }
0x3d: {  	_ =	shalt  }
0x3e: {  	_ =	shalt  }
0x3f: {  	_ =	shalt  }
0x40: {  	_ =	shalt  }
0x41: {  	_ =	shalt  }
0x42: {  	_ =	shalt  }
0x43: {  	_ =	shalt  }
0x44: {  	_ =	shalt  }
0x45: {  	_ =	shalt  }
0x46: {  	_ =	shalt  }
0x47: {  	_ =	shalt  }
0x48: {  	_ =	shalt  }
0x49: {  	_ =	shalt  }
0x4a: {  	_ =	shalt  }
0x4b: {  	_ =	shalt  }
0x4c: {  	_ =	shalt  }
0x4d: {  	_ =	shalt  }
0x4e: {  	_ =	shalt  }
0x4f: {  	_ =	shalt  }
0x50: {  	_ =	shalt  }
0x51: {  	_ =	shalt  }
0x52: {  	_ =	shalt  }
0x53: {  	_ =	shalt  }
0x54: {  	_ =	shalt  }
0x55: {  	_ =	shalt  }
0x56: {  	_ =	shalt  }
0x57: {  	_ =	shalt  }
0x58: {  	_ =	shalt  }
0x59: {  	_ =	shalt  }
0x5a: {  	_ =	shalt  }
0x5b: {  	_ =	shalt  }
0x5c: {  	_ =	shalt  }
0x5d: {  	_ =	shalt  }
0x5e: {  	_ =	shalt  }
0x5f: {  	_ =	shalt  }
0x60: {  	_ =	shalt  }
0x61: {  	_ =	shalt  }
0x62: {  	_ =	shalt  }
0x63: {  	_ =	shalt  }
0x64: {  	_ =	shalt  }
0x65: {  	_ =	shalt  }
0x66: {  	_ =	shalt  }
0x67: {  	_ =	shalt  }
0x68: {  	_ =	shalt  }
0x69: {  	_ =	shalt  }
0x6a: {  	_ =	shalt  }
0x6b: {  	_ =	shalt  }
0x6c: {  	_ =	shalt  }
0x6d: {  	_ =	shalt  }
0x6e: {  	_ =	shalt  }
0x6f: {  	_ =	shalt  }
0x70: {  	_ =	shalt  }
0x71: {  	_ =	shalt  }
0x72: {  	_ =	shalt  }
0x73: {  	_ =	shalt  }
0x74: {  	_ =	shalt  }
0x75: {  	_ =	shalt  }
0x76: {  	_ =	shalt  }
0x77: {  	_ =	shalt  }
0x78: {  	_ =	shalt  }
0x79: {  	_ =	shalt  }
0x7a: {  	_ =	shalt  }
0x7b: {  	_ =	shalt  }
0x7c: {  	_ =	shalt  }
0x7d: {  	_ =	shalt  }
0x7e: {  	_ =	shalt  }
0x7f: {  	_ =	shalt  }
0x80: {  	_ =	shalt  }
0x81: {  	_ =	shalt  }
0x82: {  	_ =	shalt  }
0x83: {  	_ =	shalt  }
0x84: {  	_ =	shalt  }
0x85: {  	_ =	shalt  }
0x86: {  	_ =	shalt  }
0x87: {  	_ =	shalt  }
.Lfunc_end0:
.L_simem_size_0:
called_computation_lowered:
.L_overlay_start_0:
0x88: {  	s2 =	sld [smem:$0x3FD9]  }
0x89: {  	s3 =	sld [smem:$0x3FFE];
	_ =	sdelay $0x1  }
0x8a: {  	s1 =	srdreg.scid  }
0x8b: {  	s0 =	sand.u32 $0x1, s1  }
0x8c: {  	s14 =	sshll.u32 s0, $0xA;
	s2 =	sadd.s32 s3, s2  }
0x8d: {  	s2 =	sadd.s32 s2, s14  }
0x8e: {  	[smem:$0x3FC5] =	sst s2  }
0x8f: {  	_ = 	snop  }
0x90: {  	s2 =	sld [smem:$0x3FD0];
	_ =	sdelay $0x2  }
0x91: {  	s4 =	simm.s32 $0xA;
	s5 =	simm.s32 $0x10;
	s15 =	sld [smem:$0x3FC7]  }
0x92: {  	[smem:s5], [sflag:s4] =	dma.local [hbm:s2], $0x1  }
0x93: {  	_ =	swait.eq [sflag:s4], $0x1  }
0x94: {  	[sflag:s4] =	ssyncset.done $0x0  }
0x95: {  	[sflag:s4] =	ssyncadd.s32 $0xFFFFFFFF  }
0x96: {  	s16 =	sld [smem:$0x10];
	(tm) =	ssettm $0x1  }
0x97: {  	s17 =	sld [smem:$0x3FFB];
	_ =	sdelay $0x3  }
0x98: {  	_ =	strace s17  }
0x99: {  	s4 =	sld [smem:$0x3FFC];
	_ =	sdelay $0x3  }
0x9a: {  	_ =	strace s4  }
0x9b: {  	s4 =	sld [smem:$0x3FFD];
	_ =	sdelay $0x3  }
0x9c: {  	_ =	strace s4  }
0x9d: {  	_ =	strace $0x8FFFFFFF  }
0x9e: {  	s18 =	sld [smem:$0x3FDB];
	_ =	sdelay $0x1  }
0x9f: {  	s19 =	simm.s32 $_scs_section_size  }
0xa0: {  	s6 =	simm.s32 $_size__tile_overlayer_lowered;
	s7 =	simm.s32 $_tile_overlayer_lowered  }
0xa1: {  	s22 =	simm.s32 $0x1BFF;
	s21 =	sshll.u32 s7, $0x1;
	s4 =	sadd.s32 s19, s18  }
0xa2: {  	s8 =	simm.s32 $0x0;
	s20 =	sshll.u32 s6, $0x1;
	s6 =	sadd.s32 s21, s4  }
0xa3: {  	[timem:s8], [sflag:s22] =	dma.local [hbm:s6], s20  }
0xa4: {  	_ =	swait.ge [sflag:s22], s20  }
0xa5: {  	s5 =	ssub.s32 $0x0, s20;
	[sflag:s22] =	ssyncset.done $0x0  }
0xa6: {  	[sflag:s22] =	ssyncadd.s32 s5;
	_ =	sdelay $0x1  }
0xa7: {  	s23 =	simm.s32 $0x1B8B  }
0xa8: {  	_ =	swait.ge [sflag:s23], $0x1  }
0xa9: {  	[sflag:s23] =	ssyncset.done $0x0  }
0xaa: {  	s25 =	simm.s32 $0x1B8E;
	s24 =	sld [smem:$0x3FFE];
	[sflag:s23] =	ssyncadd.s32 $0xFFFFFFFF  }
0xab: {  	s26 =	simm.s32 $execute0_lowered;
	[smem:$0x3FD2] =	sst s25  }
0xac: {  	s6 =	sshll.u32 s26, $0x1;
	_ =	strace $0x80000046;
	[dreg:$0x1] =	wrdreg $0xFFFFFFFF  }
0xad: {  	s28 =	simm.s32 $_size_execute0_lowered;
	s4 =	sadd.s32 s4, s6;
	[dreg:$0x0] =	wrdreg $0x0  }
0xae: {  	s6 =	sshll.u32 s28, $0x1;
	[dreg:$0x2] =	wrdreg s4  }
0xaf: {  	[dreg:$0x3] =	wrdreg s6  }
0xb0: {  	[dreg:$0x4] =	wrdreg $0xC0  }
0xb1: {  	_ =	task [dreg:s8], $0x5FFFF  }
0xb2: {  	[dreg:$0x1] =	wrdreg $0xFFFFFFFF  }
0xb3: {  	[dreg:$0x0] =	wrdreg $0x60  }
0xb4: {  	[dreg:$0x2] =	wrdreg s15  }
0xb5: {  	[dreg:$0x3] =	wrdreg s24  }
0xb6: {  	[dreg:$0x4] =	wrdreg s16  }
0xb7: {  	[dreg:$0x5] =	wrdreg $0x9  }
0xb8: {  	_ =	task.clear_ibuf [dreg:s8], $0x6FFFF;
	_ =	strace $0x90000046  }
0xb9: {  	s29 =	simm.s32 $0x9;
	_ =	strace $0x80000048  }
0xba: {  	_ =	swait.ge [sflag:s29], $0x1  }
0xbb: {  	[sflag:s29] =	ssyncadd.s32 $0xFFFFFFFF  }
0xbc: {  	_ =	strace $0x90000048  }
0xbd: {  	_ =	sfence  }
0xbe: {  	s30 =	sld [smem:$0x0];
	_ =	sdelay $0x2  }
0xbf: {  	s31 =	sshll.u32 s1, $0xD;
	s1 =	sshrl.u32 s1, $0x2  }
0xc0: {  	s3 =	sand.u32 $0x4000, s31;
	s1 =	sadd.s32 s1, s30  }
0xc1: {  	s0 =	sor.u32 s3, s0;
	s1 =	sshll.u32 s1, $0x11  }
0xc2: {  	s0 =	sor.u32 s1, s0  }
0xc3: {  	s0 =	sadd.s32 $0x8F2B, s0  }
0xc4: {  	[sflag:s0] =	ssyncadd.remote.s32 $0x1  }
0xc5: {  	_ =	sfence.sel $0xFFFF  }
0xc6: {  	[dreg:$0x0] =	wrdreg $0xFFFFFFFF;
	(pc) =	sbr.abs _section_cstart, $3  }
0xc7: {  	[dreg:$0x1] =	wrdreg $0xFFFFFFFF  }
0xc8: {  	_ =	task.clear_ibuf [dreg:s8], $0x2FFFF;
	_ =	strace $0x9FFFFFFF  }
0xc9: {  	(tm) =	ssettm $0x7FFFFFFF  }
tec
execute0_lowered:
.L_overlay_start_1:
0x0: {  	(tag) =	ssettag $0x1  }
0x1: {  	s1 =	rddreg [dreg:$0x0]  }
0x2: {  	s0 =	rddreg [dreg:$0x1]  }
0x3: {  	s2 =	rddreg [dreg:$0x2]  }
0x4: {  	s3 =	srdreg.scid;
	s5 =	stileid.u32  }
0x5: {  	s13 =	simm.s32 $0x9;
	s15 =	simm.s32 $0x2080;
	s21 =	simm.s32 $0x5080  }
0x6: {  	s28 =	simm.s32 $0x8080;
	s14 =	simm.s32 $0xB080;
	s22 =	simm.s32 $0x1  }
0x7: {  	s23 =	simm.s32 $0x2;
	s29 =	simm.s32 $0x6;
	s30 =	simm.s32 $0x7  }
0x8: {  	s31 =	simm.s32 $0x8;
	s4 =	sand.u32 $0x1, s3;
	s3 =	simm.s32 $0x0  }
0x9: {  	s5 =	sshll.u32 s5, $0x7;
	s6 =	sshll.u32 s4, $0x6;
	[smem:$0x7FF] =	sst s3  }
0xa: {  	s4 =	ssub.s32 $0x2, s4;
	s5 =	sor.u32 s6, s5;
	_ =	strace $0x80000047  }
0xb: {  	s24 =	sshrl.u32 s4, $0x1;
	s6 =	sshrl.u32 s5, $0x3;
	s5 =	sshll.u32 s5, $0x4  }
0xc: {  	s4 =	ssub.s32 s4, s24;
	s24 =	simm.s32 $0x3;
	s8 =	smul.u32 $0x1800, s6  }
0xd: {  	s7 =	sadd.s32 s6, s0;
	s0 =	sadd.s32 s5, s0;
	s9 =	smul.u32 $0x300, s6  }
0xe: {  	s6 =	sadd.s32 $0x100, s1;
	s12 =	smax.u32 s4, $0x1;
	s25 =	sadd.s32 $0x600, s7  }
0xf: {  	s5 =	sadd.s32 $0x800, s0;
	s7 =	sadd.s32 $0x200, s1;
	[dreg:$0x4] =	wrdreg s25  }
0x10: {  	v2 =	vlaneseq.u32;
	s26 =	sshrl.u32 s8, $0x3;
	s8 =	sadd.s32 s2, s9;
	s25 =	simm.s32 $0x4  }
0x11: {  	vm0 =	vmmov $0xffff;
	v1 =	vshrl.u32 v2, $0x3;
	s0 =	sadd.s32 s2, s26;
	s9 =	sadd.s32 $0x600, s8;
	s26 =	simm.s32 $0x5  }
0x12: {  	v0 =	vand.u32 $0x7, v2;
	v2 =	vor.u32 $0x8, v2;
	v1 =	vmul.u32 $0x8, v1;
	s10 =	sadd.s32 $0xC00, s0;
	s11 =	sadd.s32 $0x1200, s0;
	s0 =	simm.s32 $0x0  }
.LBB2_1:
0x13: {  	s2 =	rddreg [dreg:$0x4]  }
0x14: {  	[tilespmem:s3], [sflag:$0x9] =	stream.linear.gather [hbm4b:s2+s3], $0x40, $0x38;
	[tilespmem:$0xE080] =	vst v63  }
0x15: {  	_ =	swait.ge [sflag:s13], $0x40  }
0x16: {  	[sflag:s13] =	ssyncset.done $0x0  }
0x17: {  	s18 =	simm.s32 $0x80;
	[sflag:s13] =	ssyncadd.s32 $0xFFFFFFC0  }
0x18: {  	[tilespmem:s18], [sflag:$0x9] =	stream.linear.gather [hbm4b:s5+s3], $0x2000, $0x38;
	[tilespmem:$0xE080] =	vst v63  }
0x19: {  	_ =	swait.ge [sflag:s13], $0x2000  }
0x1a: {  	[sflag:s13] =	ssyncset.done $0x0  }
0x1b: {  	[sflag:s13] =	ssyncadd.s32 $0xFFFFE000  }
0x1c: {  	v3 =	vld [tilespmem:$0x0];
	_ =	sdelay $0x4  }
0x1d: {  	v4 =	vshrl.u32 v3, $0x3  }
0x1e: {  	v4 =	vmul.u32 $0x30, v4  }
0x1f: {  	v3 =	vand.u32 $0x7, v3  }
0x20: {  	v3 =	vor.u32 v3, v4  }
0x21: {  	v4 =	vperm.xlane v3, v0;
	_ =	sdelay $0x1  }
0x22: {  	v4 =	vadd.s32 v1, v4;
	_ =	sdelay $0x3  }
0x23: {  	v3 =	vperm.xlane v3, v2  }
0x24: {  	[tilespmem:s15], [sflag:$0x1] =	stream.indirect_vreg.gather [hbm4b:s1+s3], $0x80, v4, vm0, $0xb8;
	[tilespmem:$0xE080] =	vst v63  }
0x25: {  	s19 =	simm.s32 $0x2880;
	v3 =	vadd.s32 v1, v3  }
0x26: {  	[tilespmem:s19], [sflag:$0x1] =	stream.indirect_vreg.gather [hbm4b:s6+s3], $0x80, v4, vm0, $0xb8;
	[tilespmem:$0xE080] =	vst v63  }
0x27: {  	s20 =	simm.s32 $0x3080  }
0x28: {  	[tilespmem:s20], [sflag:$0x1] =	stream.indirect_vreg.gather [hbm4b:s7+s3], $0x80, v4, vm0, $0xb8;
	[tilespmem:$0xE080] =	vst v63  }
0x29: {  	s4 =	simm.s32 $0x3880  }
0x2a: {  	[tilespmem:s4], [sflag:$0x1] =	stream.indirect_vreg.gather [hbm4b:s1+s3], $0x80, v3, vm0, $0xb8;
	[tilespmem:$0xE080] =	vst v63  }
0x2b: {  	s16 =	simm.s32 $0x4080  }
0x2c: {  	[tilespmem:s16], [sflag:$0x1] =	stream.indirect_vreg.gather [hbm4b:s6+s3], $0x80, v3, vm0, $0xb8;
	[tilespmem:$0xE080] =	vst v63  }
0x2d: {  	s17 =	simm.s32 $0x4880  }
0x2e: {  	[tilespmem:s17], [sflag:$0x1] =	stream.indirect_vreg.gather [hbm4b:s7+s3], $0x80, v3, vm0, $0xb8;
	[tilespmem:$0xE080] =	vst v63  }
0x2f: {  	v3 =	vld [tilespmem:$0x10];
	_ =	sdelay $0x4  }
0x30: {  	v61 =	vshrl.u32 v3, $0x3  }
0x31: {  	v4 =	vmul.u32 $0x30, v61  }
0x32: {  	v3 =	vand.u32 $0x7, v3  }
0x33: {  	v3 =	vor.u32 v3, v4  }
0x34: {  	v4 =	vperm.xlane v3, v0;
	_ =	sdelay $0x1  }
0x35: {  	v4 =	vadd.s32 v1, v4;
	_ =	sdelay $0x3  }
0x36: {  	v3 =	vperm.xlane v3, v2  }
0x37: {  	[tilespmem:s21], [sflag:$0x2] =	stream.indirect_vreg.gather [hbm4b:s1+s3], $0x80, v4, vm0, $0xb8;
	[tilespmem:$0xE080] =	vst v63  }
0x38: {  	s18 =	simm.s32 $0x5880;
	v3 =	vadd.s32 v1, v3  }
0x39: {  	[tilespmem:s18], [sflag:$0x2] =	stream.indirect_vreg.gather [hbm4b:s6+s3], $0x80, v4, vm0, $0xb8;
	[tilespmem:$0xE080] =	vst v63  }
0x3a: {  	s19 =	simm.s32 $0x6080  }
0x3b: {  	[tilespmem:s19], [sflag:$0x2] =	stream.indirect_vreg.gather [hbm4b:s7+s3], $0x80, v4, vm0, $0xb8;
	[tilespmem:$0xE080] =	vst v63  }
0x3c: {  	s20 =	simm.s32 $0x6880  }
0x3d: {  	[tilespmem:s20], [sflag:$0x2] =	stream.indirect_vreg.gather [hbm4b:s1+s3], $0x80, v3, vm0, $0xb8;
	[tilespmem:$0xE080] =	vst v63  }
0x3e: {  	s4 =	simm.s32 $0x7080  }
0x3f: {  	[tilespmem:s4], [sflag:$0x2] =	stream.indirect_vreg.gather [hbm4b:s6+s3], $0x80, v3, vm0, $0xb8;
	[tilespmem:$0xE080] =	vst v63  }
0x40: {  	s16 =	simm.s32 $0x7880  }
0x41: {  	[tilespmem:s16], [sflag:$0x2] =	stream.indirect_vreg.gather [hbm4b:s7+s3], $0x80, v3, vm0, $0xb8;
	[tilespmem:$0xE080] =	vst v63  }
0x42: {  	v3 =	vld [tilespmem:$0x20];
	_ =	sdelay $0x4  }
0x43: {  	v62 =	vshrl.u32 v3, $0x3  }
0x44: {  	v4 =	vmul.u32 $0x30, v62  }
0x45: {  	v3 =	vand.u32 $0x7, v3  }
0x46: {  	v3 =	vor.u32 v3, v4  }
0x47: {  	v4 =	vperm.xlane v3, v0;
	_ =	sdelay $0x1  }
0x48: {  	v4 =	vadd.s32 v1, v4;
	_ =	sdelay $0x3  }
0x49: {  	v3 =	vperm.xlane v3, v2  }
0x4a: {  	[tilespmem:s28], [sflag:$0x3] =	stream.indirect_vreg.gather [hbm4b:s1+s3], $0x80, v4, vm0, $0xb8;
	[tilespmem:$0xE080] =	vst v63  }
0x4b: {  	s17 =	simm.s32 $0x8880;
	v3 =	vadd.s32 v1, v3  }
0x4c: {  	[tilespmem:s17], [sflag:$0x3] =	stream.indirect_vreg.gather [hbm4b:s6+s3], $0x80, v4, vm0, $0xb8;
	[tilespmem:$0xE080] =	vst v63  }
0x4d: {  	s18 =	simm.s32 $0x9080  }
0x4e: {  	[tilespmem:s18], [sflag:$0x3] =	stream.indirect_vreg.gather [hbm4b:s7+s3], $0x80, v4, vm0, $0xb8;
	[tilespmem:$0xE080] =	vst v63  }
0x4f: {  	s19 =	simm.s32 $0x9880  }
0x50: {  	[tilespmem:s19], [sflag:$0x3] =	stream.indirect_vreg.gather [hbm4b:s1+s3], $0x80, v3, vm0, $0xb8;
	[tilespmem:$0xE080] =	vst v63  }
0x51: {  	s20 =	simm.s32 $0xA080  }
0x52: {  	[tilespmem:s20], [sflag:$0x3] =	stream.indirect_vreg.gather [hbm4b:s6+s3], $0x80, v3, vm0, $0xb8;
	[tilespmem:$0xE080] =	vst v63  }
0x53: {  	s4 =	simm.s32 $0xA880  }
0x54: {  	[tilespmem:s4], [sflag:$0x3] =	stream.indirect_vreg.gather [hbm4b:s7+s3], $0x80, v3, vm0, $0xb8;
	[tilespmem:$0xE080] =	vst v63  }
0x55: {  	v3 =	vld [tilespmem:$0x30];
	_ =	sdelay $0x4  }
0x56: {  	v63 =	vshrl.u32 v3, $0x3  }
0x57: {  	v4 =	vmul.u32 $0x30, v63  }
0x58: {  	v3 =	vand.u32 $0x7, v3  }
0x59: {  	v3 =	vor.u32 v3, v4  }
0x5a: {  	v4 =	vperm.xlane v3, v0;
	_ =	sdelay $0x1  }
0x5b: {  	v4 =	vadd.s32 v1, v4;
	_ =	sdelay $0x3  }
0x5c: {  	v3 =	vperm.xlane v3, v2  }
0x5d: {  	[tilespmem:s14], [sflag:$0x4] =	stream.indirect_vreg.gather [hbm4b:s1+s3], $0x80, v4, vm0, $0xb8;
	[tilespmem:$0xE080] =	vst v63  }
0x5e: {  	s16 =	simm.s32 $0xB880;
	v3 =	vadd.s32 v1, v3  }
0x5f: {  	[tilespmem:s16], [sflag:$0x4] =	stream.indirect_vreg.gather [hbm4b:s6+s3], $0x80, v4, vm0, $0xb8;
	[tilespmem:$0xE080] =	vst v63  }
0x60: {  	s17 =	simm.s32 $0xC080  }
0x61: {  	[tilespmem:s17], [sflag:$0x4] =	stream.indirect_vreg.gather [hbm4b:s7+s3], $0x80, v4, vm0, $0xb8;
	[tilespmem:$0xE080] =	vst v63  }
0x62: {  	s18 =	simm.s32 $0xC880  }
0x63: {  	[tilespmem:s18], [sflag:$0x4] =	stream.indirect_vreg.gather [hbm4b:s1+s3], $0x80, v3, vm0, $0xb8;
	[tilespmem:$0xE080] =	vst v63  }
0x64: {  	s19 =	simm.s32 $0xD080  }
0x65: {  	[tilespmem:s19], [sflag:$0x4] =	stream.indirect_vreg.gather [hbm4b:s6+s3], $0x80, v3, vm0, $0xb8;
	[tilespmem:$0xE080] =	vst v63  }
0x66: {  	s20 =	simm.s32 $0xD880  }
0x67: {  	[tilespmem:s20], [sflag:$0x4] =	stream.indirect_vreg.gather [hbm4b:s7+s3], $0x80, v3, vm0, $0xb8;
	[tilespmem:$0xE080] =	vst v63  }
0x68: {  	_ =	swait.ge [sflag:s22], $0x3000  }
0x69: {  	[sflag:s22] =	ssyncset.done $0x0  }
0x6a: {  	s2 =	simm.s32 $0x0;
	[sflag:s22] =	ssyncadd.s32 $0xFFFFD000  }
.LBB2_2:
0x6b: {  	s4 =	sshrl.u32 s2, $0x3  }
0x6c: {  	s4 =	smul.u32 $0x6000, s4  }
0x6d: {  	s17 =	sshll.u32 s2, $0x7  }
0x6e: {  	s16 =	sand.u32 $0x380, s17;
	s4 =	sshra.s32 s4, $0x2  }
0x6f: {  	s18 =	simm.s32 $0x0;
	s4 =	sor.u32 s16, s4  }
0x70: {  	s20 =	sand.u32 $0x1C00, s18;
	s16 =	sadd.s32 $0x2080, s4  }
0x71: {  	s17 =	sand.u32 $0x3FFFFF80, s17;
	s18 =	sand.u32 $0x70, s18;
	s4 =	sadd.s32 s20, s16  }
0x72: {  	v3 =	vld [tilespmem:s17+$0x80];
	s17 =	sadd.s32 s18, s4  }
0x73: {  	v4 =	vld [tilespmem:s17+$0x0];
	_ =	sdelay $0x3  }
0x74: {  	s18 =	simm.s32 $0x80  }
0x75: {  	s19 =	simm.s32 $0x20;
	s20 =	simm.s32 $0x10;
	s4 =	sand.u32 $0x1C00, s18;
	v4 =	vmul.f32 v4, v3  }
.LBB2_3:
0x76: {  	p0 =	sne.s32 s19, $0x2F0;
	s20 =	sand.u32 $0x70, s20;
	s4 =	sadd.s32 s4, s16  }
0x77: {  	[tilespmem:s17+$0x0] =	vst v4;
	s17 =	sadd.s32 s20, s4;
	s20 =	smov.u32 s19  }
0x78: {  	v4 =	vld [tilespmem:s17+$0x0]  }
.Ltmp0:
0x79: {  	(pc) =	sbr.rel @p0 .LBB2_3-.Ltmp0, $3  }
0x7a: {  	_ =	sdelay $0x1  }
0x7b: {  	s18 =	sadd.s32 $0x80, s18  }
0x7c: {  	s4 =	sand.u32 $0x1C00, s18;
	s19 =	sadd.s32 $0x10, s19;
	v4 =	vmul.f32 v4, v3  }
0x7d: {  	s18 =	sand.u32 $0x70, s20;
	s4 =	sadd.s32 s4, s16  }
0x7e: {  	s4 =	sadd.s32 s18, s4;
	[tilespmem:s17+$0x0] =	vst v4  }
0x7f: {  	v4 =	vld [tilespmem:s4+$0x0]  }
0x80: {  	s2 =	sadd.s32 $0x1, s2  }
0x81: {  	p0 =	sne.s32 s2, $0x10  }
.Ltmp1:
0x82: {  	_ = 	snop;
	(pc) =	sbr.rel @p0 .LBB2_2-.Ltmp1, $3  }
0x83: {  	_ = 	snop  }
0x84: {  	v3 =	vmul.f32 v4, v3;
	_ =	sdelay $0x1  }
0x85: {  	[tilespmem:s4+$0x0] =	vst v3  }
0x86: {  	[hbm4b:s8+s3] =	stream.linear.scatter [tilespmem:s15], [sflag:$0x5], $0x3000, $0x38;
	[tilespmem:$0xE080] =	vst v63  }
0x87: {  	_ =	swait.ge [sflag:s23], $0x3000  }
0x88: {  	[sflag:s23] =	ssyncset.done $0x0  }
0x89: {  	s2 =	simm.s32 $0x10;
	[sflag:s23] =	ssyncadd.s32 $0xFFFFD000  }
.LBB2_6:
0x8a: {  	s4 =	sshrl.u32 s2, $0x3  }
0x8b: {  	s4 =	smul.u32 $0x6000, s4  }
0x8c: {  	s17 =	sshll.u32 s2, $0x7  }
0x8d: {  	s16 =	sand.u32 $0x380, s17;
	s4 =	sshra.s32 s4, $0x2  }
0x8e: {  	s18 =	simm.s32 $0x0;
	s4 =	sor.u32 s16, s4  }
0x8f: {  	s20 =	sand.u32 $0x1C00, s18;
	s16 =	sadd.s32 $0x2080, s4  }
0x90: {  	s17 =	sand.u32 $0x3FFFFF80, s17;
	s18 =	sand.u32 $0x70, s18;
	s4 =	sadd.s32 s20, s16  }
0x91: {  	v3 =	vld [tilespmem:s17+$0x80];
	s17 =	sadd.s32 s18, s4  }
0x92: {  	v4 =	vld [tilespmem:s17+$0x0];
	_ =	sdelay $0x3  }
0x93: {  	s18 =	simm.s32 $0x80  }
0x94: {  	s19 =	simm.s32 $0x20;
	s20 =	simm.s32 $0x10;
	s4 =	sand.u32 $0x1C00, s18;
	v4 =	vmul.f32 v4, v3  }
.LBB2_7:
0x95: {  	p0 =	sne.s32 s19, $0x2F0;
	s20 =	sand.u32 $0x70, s20;
	s4 =	sadd.s32 s4, s16  }
0x96: {  	[tilespmem:s17+$0x0] =	vst v4;
	s17 =	sadd.s32 s20, s4;
	s20 =	smov.u32 s19  }
0x97: {  	v4 =	vld [tilespmem:s17+$0x0]  }
.Ltmp2:
0x98: {  	(pc) =	sbr.rel @p0 .LBB2_7-.Ltmp2, $3  }
0x99: {  	_ =	sdelay $0x1  }
0x9a: {  	s18 =	sadd.s32 $0x80, s18  }
0x9b: {  	s4 =	sand.u32 $0x1C00, s18;
	s19 =	sadd.s32 $0x10, s19;
	v4 =	vmul.f32 v4, v3  }
0x9c: {  	s18 =	sand.u32 $0x70, s20;
	s4 =	sadd.s32 s4, s16  }
0x9d: {  	s4 =	sadd.s32 s18, s4;
	[tilespmem:s17+$0x0] =	vst v4  }
0x9e: {  	v4 =	vld [tilespmem:s4+$0x0]  }
0x9f: {  	s2 =	sadd.s32 $0x1, s2  }
0xa0: {  	p0 =	sne.s32 s2, $0x20  }
.Ltmp3:
0xa1: {  	_ = 	snop;
	(pc) =	sbr.rel @p0 .LBB2_6-.Ltmp3, $3  }
0xa2: {  	_ = 	snop  }
0xa3: {  	v3 =	vmul.f32 v4, v3;
	_ =	sdelay $0x1  }
0xa4: {  	[tilespmem:s4+$0x0] =	vst v3  }
0xa5: {  	[hbm4b:s9+s3] =	stream.linear.scatter [tilespmem:s21], [sflag:$0x6], $0x3000, $0x38;
	[tilespmem:$0xE080] =	vst v63  }
0xa6: {  	_ =	swait.ge [sflag:s24], $0x3000  }
0xa7: {  	[sflag:s24] =	ssyncset.done $0x0  }
0xa8: {  	s2 =	simm.s32 $0x20;
	[sflag:s24] =	ssyncadd.s32 $0xFFFFD000  }
.LBB2_10:
0xa9: {  	s4 =	sshrl.u32 s2, $0x3  }
0xaa: {  	s4 =	smul.u32 $0x6000, s4  }
0xab: {  	s17 =	sshll.u32 s2, $0x7  }
0xac: {  	s16 =	sand.u32 $0x380, s17;
	s4 =	sshra.s32 s4, $0x2  }
0xad: {  	s18 =	simm.s32 $0x0;
	s4 =	sor.u32 s16, s4  }
0xae: {  	s20 =	sand.u32 $0x1C00, s18;
	s16 =	sadd.s32 $0x2080, s4  }
0xaf: {  	s17 =	sand.u32 $0x3FFFFF80, s17;
	s18 =	sand.u32 $0x70, s18;
	s4 =	sadd.s32 s20, s16  }
0xb0: {  	v3 =	vld [tilespmem:s17+$0x80];
	s17 =	sadd.s32 s18, s4  }
0xb1: {  	v4 =	vld [tilespmem:s17+$0x0];
	_ =	sdelay $0x3  }
0xb2: {  	s18 =	simm.s32 $0x80  }
0xb3: {  	s19 =	simm.s32 $0x20;
	s20 =	simm.s32 $0x10;
	s4 =	sand.u32 $0x1C00, s18;
	v4 =	vmul.f32 v4, v3  }
.LBB2_11:
0xb4: {  	p0 =	sne.s32 s19, $0x2F0;
	s20 =	sand.u32 $0x70, s20;
	s4 =	sadd.s32 s4, s16  }
0xb5: {  	[tilespmem:s17+$0x0] =	vst v4;
	s17 =	sadd.s32 s20, s4;
	s20 =	smov.u32 s19  }
0xb6: {  	v4 =	vld [tilespmem:s17+$0x0]  }
.Ltmp4:
0xb7: {  	(pc) =	sbr.rel @p0 .LBB2_11-.Ltmp4, $3  }
0xb8: {  	_ =	sdelay $0x1  }
0xb9: {  	s18 =	sadd.s32 $0x80, s18  }
0xba: {  	s4 =	sand.u32 $0x1C00, s18;
	s19 =	sadd.s32 $0x10, s19;
	v4 =	vmul.f32 v4, v3  }
0xbb: {  	s18 =	sand.u32 $0x70, s20;
	s4 =	sadd.s32 s4, s16  }
0xbc: {  	s4 =	sadd.s32 s18, s4;
	[tilespmem:s17+$0x0] =	vst v4  }
0xbd: {  	v4 =	vld [tilespmem:s4+$0x0]  }
0xbe: {  	s2 =	sadd.s32 $0x1, s2  }
0xbf: {  	p0 =	sne.s32 s2, $0x30  }
.Ltmp5:
0xc0: {  	_ = 	snop;
	(pc) =	sbr.rel @p0 .LBB2_10-.Ltmp5, $3  }
0xc1: {  	_ = 	snop  }
0xc2: {  	v3 =	vmul.f32 v4, v3;
	_ =	sdelay $0x1  }
0xc3: {  	[tilespmem:s4+$0x0] =	vst v3  }
0xc4: {  	[hbm4b:s10+s3] =	stream.linear.scatter [tilespmem:s28], [sflag:$0x7], $0x3000, $0x38;
	[tilespmem:$0xE080] =	vst v63  }
0xc5: {  	_ =	swait.ge [sflag:s25], $0x3000  }
0xc6: {  	[sflag:s25] =	ssyncset.done $0x0  }
0xc7: {  	s2 =	simm.s32 $0x30;
	[sflag:s25] =	ssyncadd.s32 $0xFFFFD000  }
.LBB2_14:
0xc8: {  	s4 =	sshrl.u32 s2, $0x3  }
0xc9: {  	s4 =	smul.u32 $0x6000, s4  }
0xca: {  	s17 =	sshll.u32 s2, $0x7  }
0xcb: {  	s16 =	sand.u32 $0x380, s17;
	s4 =	sshra.s32 s4, $0x2  }
0xcc: {  	s18 =	simm.s32 $0x0;
	s4 =	sor.u32 s16, s4  }
0xcd: {  	s20 =	sand.u32 $0x1C00, s18;
	s16 =	sadd.s32 $0x2080, s4  }
0xce: {  	s17 =	sand.u32 $0x3FFFFF80, s17;
	s18 =	sand.u32 $0x70, s18;
	s4 =	sadd.s32 s20, s16  }
0xcf: {  	v3 =	vld [tilespmem:s17+$0x80];
	s17 =	sadd.s32 s18, s4  }
0xd0: {  	v4 =	vld [tilespmem:s17+$0x0];
	_ =	sdelay $0x3  }
0xd1: {  	s18 =	simm.s32 $0x80  }
0xd2: {  	s19 =	simm.s32 $0x20;
	s20 =	simm.s32 $0x10;
	s4 =	sand.u32 $0x1C00, s18;
	v4 =	vmul.f32 v4, v3  }
.LBB2_15:
0xd3: {  	p0 =	sne.s32 s19, $0x2F0;
	s20 =	sand.u32 $0x70, s20;
	s4 =	sadd.s32 s4, s16  }
0xd4: {  	[tilespmem:s17+$0x0] =	vst v4;
	s17 =	sadd.s32 s20, s4;
	s20 =	smov.u32 s19  }
0xd5: {  	v4 =	vld [tilespmem:s17+$0x0]  }
.Ltmp6:
0xd6: {  	(pc) =	sbr.rel @p0 .LBB2_15-.Ltmp6, $3  }
0xd7: {  	_ =	sdelay $0x1  }
0xd8: {  	s18 =	sadd.s32 $0x80, s18  }
0xd9: {  	s4 =	sand.u32 $0x1C00, s18;
	s19 =	sadd.s32 $0x10, s19;
	v4 =	vmul.f32 v4, v3  }
0xda: {  	s18 =	sand.u32 $0x70, s20;
	s4 =	sadd.s32 s4, s16  }
0xdb: {  	s4 =	sadd.s32 s18, s4;
	[tilespmem:s17+$0x0] =	vst v4  }
0xdc: {  	v4 =	vld [tilespmem:s4+$0x0]  }
0xdd: {  	s2 =	sadd.s32 $0x1, s2  }
0xde: {  	p0 =	sne.s32 s2, $0x40  }
.Ltmp7:
0xdf: {  	_ = 	snop;
	(pc) =	sbr.rel @p0 .LBB2_14-.Ltmp7, $3  }
0xe0: {  	_ = 	snop  }
0xe1: {  	v3 =	vmul.f32 v4, v3;
	_ =	sdelay $0x1  }
0xe2: {  	[tilespmem:s4+$0x0] =	vst v3  }
0xe3: {  	[hbm4b:s11+s3] =	stream.linear.scatter [tilespmem:s14], [sflag:$0x8], $0x3000, $0x38;
	[tilespmem:$0xE080] =	vst v63  }
0xe4: {  	_ =	swait.ge [sflag:s26], $0x3000  }
0xe5: {  	[sflag:s26] =	ssyncset.done $0x0  }
0xe6: {  	[sflag:s26] =	ssyncadd.s32 $0xFFFFD000  }
0xe7: {  	_ =	swait.ge [sflag:s29], $0x3000  }
0xe8: {  	[sflag:s29] =	ssyncset.done $0x0  }
0xe9: {  	s0 =	sadd.s32 $0x1, s0;
	[sflag:s29] =	ssyncadd.s32 $0xFFFFD000  }
0xea: {  	p0 =	sne.s32 s0, s12;
	_ =	swait.ge [sflag:s30], $0x3000  }
.Ltmp8:
0xeb: {  	[sflag:s30] =	ssyncset.done $0x0;
	(pc) =	sbr.rel @p0 .LBB2_1-.Ltmp8, $4  }
0xec: {  	[sflag:s30] =	ssyncadd.s32 $0xFFFFD000  }
0xed: {  	_ =	swait.ge [sflag:s31], $0x3000  }
0xee: {  	[sflag:s31] =	ssyncset.done $0x0  }
0xef: {  	[sflag:s31] =	ssyncadd.s32 $0xFFFFD000  }
0xf0: {  	_ =	sfence.sel $0x180000  }
0xf1: {  	[bflag:$0x0] =	sbarrier.arrive $0xFFFF  }
0xf2: {  	_ =	strace $0x90000047  }
0xf3: {  	s0 =	stileid.u32;
	[bflag:$0x2] =	sbarrier.arrive $0xFFFF  }
0xf4: {  	p0 =	sne.s32 s0, $0x0;
	s0 =	rddreg [dreg:$0x3]  }
0xf5: {  	s0 =	sadd.s32 @!p0 $0x100000, s0  }
0xf6: {  	[sflag:s0] =	ssyncadd.tile.s32 @!p0 $0x1;
	_ =	shalt  }
.Lfunc_end2:
_tile_overlayer_lowered:
.L_overlay_start_2:
0xf7: {  	(tag) =	ssettag $0x2  }
0xf8: {  	s0 =	rddreg [dreg:$0x0];
	s2 =	stileid.u32  }
0xf9: {  	s1 =	rddreg [dreg:$0x1];
	p0 =	sne.s32 s2, $0x0  }
0xfa: {  	s3 =	rddreg [dreg:$0x2];
	[bflag:$0x3] =	sbarrier.arrive $0xFFFF;
	s2 =	simm.s32 @!p0 $0x1C09  }
0xfb: {  	[timem:s3], [sflag:s2] =	dma.local @!p0 [hbm:s0], s1  }
0xfc: {  	s0 =	simm.s32 @!p0 $0x9  }
0xfd: {  	_ =	swait.ge @!p0 [sflag:s0], s1  }
0xfe: {  	s1 =	ssub.s32 @!p0 $0x0, s1;
	[sflag:s0] =	ssyncset.done @!p0 $0x0  }
0xff: {  	[sflag:s0] =	ssyncadd.s32 @!p0 s1  }
0x100: {  	[bflag:$0x3] =	sbarrier.arrive $0xFFFF  }
0x101: {  	_ =	shalt  }

</sc_bundles>
